<compile_context>
chip_gen: v7x
topology: tpu7x:2x2x1
jax: 0.10.2.dev20260603
libtpu: 0.0.44.dev20260713+nightly
codegen_flags: <defaults>
</compile_context>

<pallas_src>
import functools

import jax
import jax.numpy as jnp
from jax import lax
from jax.experimental import pallas as pl
from jax.experimental.pallas import tpu as pltpu
from jax.experimental.pallas import tpu_sc as plsc

N_NODES = 10000
D_FEAT = 128
OUT_CH = 128
N_EDGES = 320000

NC = 2
NS = 16
NW = NC * NS
CHUNK = 128
NCHUNK = 80
ACH = 64
NACH = 160
TOT_CHUNKS = 2560
C0 = 96
C1 = 64
STG = 16
NBUF = 2
E_PER_TILE = CHUNK * NCHUNK
E_PAD = E_PER_TILE * NW
N_PAD = 10240
ROWS_PT = N_PAD // NS
CW = 16

_MESH = plsc.VectorSubcoreMesh(
    core_axis_name="c", subcore_axis_name="s", num_cores=NC, num_subcores=NS
)


def _fill_rows(ref, nrows, ncols, value):
    vv = jnp.full((16,), value, jnp.float32)

    def body(i, _):
        for k in range(ncols // 16):
            ref[i, pl.ds(k * 16, 16)] = vv
        return 0

    lax.fori_loop(0, nrows, body, 0)


@functools.partial(
    pl.kernel,
    out_type=jax.ShapeDtypeStruct((NC, N_PAD, CW), jnp.float32),
    mesh=_MESH,
    scratch_types=[
        pltpu.VMEM((NCHUNK, CHUNK), jnp.int32),
        pltpu.VMEM((CHUNK, CW), jnp.float32),
        pltpu.VMEM((CHUNK, CW), jnp.float32),
        pltpu.VMEM_SHARED((N_PAD, CW), jnp.float32),
    ],
)
def _sc_degree(dst_hbm, out_hbm, dst_v, ones_v, zeros_v, cnt_sh):
    cid = lax.axis_index("c")
    sid = lax.axis_index("s")
    wid = cid * NS + sid

    pltpu.sync_copy(dst_hbm.at[wid], dst_v)
    _fill_rows(ones_v, CHUNK, CW, 1.0)
    _fill_rows(zeros_v, CHUNK, CW, 0.0)
    for k in range(ROWS_PT // CHUNK):
        pltpu.sync_copy(zeros_v, cnt_sh.at[pl.ds(sid * ROWS_PT + k * CHUNK, CHUNK)])
    plsc.subcore_barrier()

    def step(j, _):
        pltpu.sync_copy(ones_v, cnt_sh.at[dst_v.at[j]], add=True)
        return 0

    lax.fori_loop(0, NCHUNK, step, 0)
    plsc.subcore_barrier()

    pltpu.sync_copy(
        cnt_sh.at[pl.ds(sid * ROWS_PT, ROWS_PT)],
        out_hbm.at[cid, pl.ds(sid * ROWS_PT, ROWS_PT)],
    )


@functools.partial(
    pl.kernel,
    out_type=jax.ShapeDtypeStruct((NC, N_PAD, OUT_CH), jnp.float32),
    mesh=_MESH,
    scratch_types=[
        pltpu.VMEM((NCHUNK, CHUNK), jnp.int32),
        pltpu.VMEM((NCHUNK, CHUNK), jnp.int32),
        pltpu.VMEM((CHUNK, OUT_CH), jnp.float32),
        pltpu.VMEM_SHARED((N_PAD, OUT_CH), jnp.float32),
        pltpu.SemaphoreType.DMA,
    ],
)
def _sc_aggregate(src_hbm, dst_hbm, hp_hbm, zz_hbm, out_hbm,
                  src_v, dst_v, rows_v, acc_sh, sem):
    cid = lax.axis_index("c")
    sid = lax.axis_index("s")
    wid = cid * NS + sid

    pltpu.sync_copy(src_hbm.at[wid], src_v)
    pltpu.sync_copy(dst_hbm.at[wid], dst_v)
    pltpu.sync_copy(zz_hbm, acc_sh.at[pl.ds(sid * ROWS_PT, ROWS_PT)])
    plsc.subcore_barrier()

    def step(j, _):
        pltpu.async_copy(hp_hbm.at[src_v.at[j]], rows_v, sem).wait()
        pltpu.sync_copy(rows_v, acc_sh.at[dst_v.at[j]], add=True)
        return 0

    lax.fori_loop(0, NCHUNK, step, 0)
    plsc.subcore_barrier()

    pltpu.sync_copy(
        acc_sh.at[pl.ds(sid * ROWS_PT, ROWS_PT)],
        out_hbm.at[cid, pl.ds(sid * ROWS_PT, ROWS_PT)],
    )


BLK = 1000
GRID = N_NODES // BLK


def _tc_matmul_body(x_ref, w_ref, degp_ref, hp_ref):
    deg = degp_ref[0, :, 0] + degp_ref[1, :, 0] + 1.0
    dis = lax.rsqrt(deg)
    h = jnp.dot(x_ref[...], w_ref[...], preferred_element_type=jnp.float32)
    hp_ref[...] = h * dis[:, None]


def _tc_epilogue_body(acc_ref, hp_ref, degp_ref, b_ref, o_ref):
    deg = degp_ref[0, :, 0] + degp_ref[1, :, 0] + 1.0
    dis = lax.rsqrt(deg)
    s = (acc_ref[0] + acc_ref[1] + hp_ref[...]) * dis[:, None] + b_ref[...]
    o_ref[...] = jnp.maximum(s, 0.0)


def kernel(x, edge_index, W, b):
    ei = edge_index.astype(jnp.int32)
    npad = E_PAD - N_EDGES
    src_p = jnp.concatenate([ei[0], jnp.zeros((npad,), jnp.int32)])
    dst_p = jnp.concatenate([ei[1], jnp.full((npad,), N_NODES, jnp.int32)])

    degp = _sc_degree(dst_p.reshape(NW, NCHUNK, CHUNK))
    srcA = src_p.reshape(NW, NCHUNK, CHUNK)
    dstA = dst_p.reshape(NW, NCHUNK, CHUNK)

    hp = pl.pallas_call(
        _tc_matmul_body,
        grid=(GRID,),
        in_specs=[
            pl.BlockSpec((BLK, D_FEAT), lambda i: (i, 0)),
            pl.BlockSpec((D_FEAT, OUT_CH), lambda i: (0, 0)),
            pl.BlockSpec((NC, BLK, CW), lambda i: (0, i, 0)),
        ],
        out_specs=pl.BlockSpec((BLK, OUT_CH), lambda i: (i, 0)),
        out_shape=jax.ShapeDtypeStruct((N_NODES, OUT_CH), jnp.float32),
    )(x, W, degp)

    acc = _sc_aggregate(srcA, dstA, hp, jnp.zeros((ROWS_PT, OUT_CH), jnp.float32))

    out = pl.pallas_call(
        _tc_epilogue_body,
        grid=(GRID,),
        in_specs=[
            pl.BlockSpec((NC, BLK, OUT_CH), lambda i: (0, i, 0)),
            pl.BlockSpec((BLK, OUT_CH), lambda i: (i, 0)),
            pl.BlockSpec((NC, BLK, CW), lambda i: (0, i, 0)),
            pl.BlockSpec((1, OUT_CH), lambda i: (0, 0)),
        ],
        out_specs=pl.BlockSpec((BLK, OUT_CH), lambda i: (i, 0)),
        out_shape=jax.ShapeDtypeStruct((N_NODES, OUT_CH), jnp.float32),
    )(acc, hp, degp, b.reshape(1, OUT_CH))

    return out

# --- scband reference (transcript-rebuilt; emitter-appended) ---
"""Pipeline reference for scband-tox21-gcnconv-77025943487112 (READ-ONLY COPY).

The authoritative reference and input builder live on the scoring server;
editing this copy changes nothing except your own understanding.
"""

import jax, jax.numpy as jnp
import numpy as np

N_NODES = 10000
D_FEAT = 128
OUT_CH = 128
N_EDGES = 320000


def setup_inputs(seed: int = 0) -> dict:
    key = jax.random.key(seed)
    k1, k2, k3, k4 = jax.random.split(key, 4)
    x = jax.random.normal(k1, (N_NODES, D_FEAT), dtype=jnp.float32)
    edge_index = jax.random.randint(k2, (2, N_EDGES), 0, N_NODES, dtype=jnp.int64)
    # GCNConv learned params (lazy in_channels inferred = D_FEAT)
    W = jax.random.normal(k3, (D_FEAT, OUT_CH), dtype=jnp.float32) * (1.0 / np.sqrt(D_FEAT))
    b = jnp.zeros((OUT_CH,), dtype=jnp.float32)
    return {"x": x, "edge_index": edge_index, "W": W, "b": b}


def reference(x, edge_index, W, b):
    # Faithful GCNConv (Kipf & Welling) with self-loops + symmetric normalization,
    # followed by ReLU, as in Tox21GCNConv.forward.
    N = x.shape[0]
    loop = jnp.arange(N, dtype=edge_index.dtype)
    src = jnp.concatenate([edge_index[0], loop])
    dst = jnp.concatenate([edge_index[1], loop])
    # degree (with self-loops), computed on destination nodes
    deg = jnp.zeros((N,), dtype=jnp.float32).at[dst].add(1.0)
    deg_inv_sqrt = jnp.where(deg > 0, jax.lax.rsqrt(deg), 0.0)
    norm = deg_inv_sqrt[src] * deg_inv_sqrt[dst]
    # linear transform then message passing (gather + scatter-add)
    h = x @ W
    msg = h[src] * norm[:, None]
    out = jnp.zeros((N, h.shape[1]), dtype=h.dtype).at[dst].add(msg)
    out = out + b
    return jax.nn.relu(out)

if __name__ == "__main__":
    import jax
    _d = setup_inputs()
    print(jax.jit(kernel)(*tuple(_d.values())))

</pallas_src>

<mosaic_0001>
#map = affine_map<(d0, d1) -> (0, 0, 0)>
module attributes {stable_mosaic.version = 14 : i64} {
  func.func @_sc_degree(%arg0: i32, %arg1: i32, %arg2: memref<32x80x128xi32, #tpu.memory_space<hbm>>, %arg3: memref<2x10240x16xf32, #tpu.memory_space<hbm>>, %arg4: memref<80x128xi32, #tpu.memory_space<vmem>>, %arg5: memref<128x16xf32, #tpu.memory_space<vmem>>, %arg6: memref<128x16xf32, #tpu.memory_space<vmem>>, %arg7: memref<10240x16xf32, #tpu.memory_space<vmem_shared>>) attributes {dimension_semantics = [#tpu.dimension_semantics<core_parallel>, #tpu.dimension_semantics<subcore_parallel>], iteration_bounds = array<i64: 2, 16>, scalar_prefetch = 0 : i64, scratch_operands = 4 : i64, tpu.core_type = #tpu.core_type<sc_vector_subcore>, window_params = [{transform_indices = #map}, {transform_indices = #map}]} {
    %mul3A = arith.constant 16 : i32
    %mul3A_0 = arith.muli %arg0, %mul3A : i32
    %add3A = arith.addi %mul3A_0, %arg1 : i32
    "tpu.region"() ({
      %run_scoped3A = tpu.sem_alloc : memref<!tpu.dma_semaphore, #tpu.memory_space<semaphore_mem>>
      %dma_start3A = arith.constant 0 : i32
      %dma_start3A_49 = arith.constant 0 : i32
      %dma_start3A_50 = tpu.memref_slice %arg2[%add3A, %dma_start3A, %dma_start3A_49] : memref<32x80x128xi32, #tpu.memory_space<hbm>> -> memref<1x80x128xi32, #tpu.memory_space<hbm>>
      %dma_start3A_51 = tpu.memref_squeeze %dma_start3A_50 : memref<1x80x128xi32, #tpu.memory_space<hbm>> -> memref<80x128xi32, #tpu.memory_space<hbm>>
      %dma_start3A_52 = arith.constant 0 : i32
      %dma_start3A_53 = arith.constant 0 : i32
      %dma_start3A_54 = tpu.memref_slice %arg2[%add3A, %dma_start3A_52, %dma_start3A_53] : memref<32x80x128xi32, #tpu.memory_space<hbm>> -> memref<1x80x128xi32, #tpu.memory_space<hbm>>
      %dma_start3A_55 = tpu.memref_squeeze %dma_start3A_54 : memref<1x80x128xi32, #tpu.memory_space<hbm>> -> memref<80x128xi32, #tpu.memory_space<hbm>>
      tpu.enqueue_dma source(%dma_start3A_55 : memref<80x128xi32, #tpu.memory_space<hbm>>) target(%arg4 : memref<80x128xi32, #tpu.memory_space<vmem>>) target_semaphore(%run_scoped3A : memref<!tpu.dma_semaphore, #tpu.memory_space<semaphore_mem>>)
      %dma_wait3A = arith.constant 0 : i32
      %dma_wait3A_56 = arith.constant 0 : i32
      %dma_wait3A_57 = tpu.memref_slice %arg2[%add3A, %dma_wait3A, %dma_wait3A_56] : memref<32x80x128xi32, #tpu.memory_space<hbm>> -> memref<1x80x128xi32, #tpu.memory_space<hbm>>
      %dma_wait3A_58 = tpu.memref_squeeze %dma_wait3A_57 : memref<1x80x128xi32, #tpu.memory_space<hbm>> -> memref<80x128xi32, #tpu.memory_space<hbm>>
      %dma_wait3A_59 = arith.constant 0 : i32
      %dma_wait3A_60 = arith.constant 0 : i32
      %dma_wait3A_61 = tpu.memref_slice %arg2[%add3A, %dma_wait3A_59, %dma_wait3A_60] : memref<32x80x128xi32, #tpu.memory_space<hbm>> -> memref<1x80x128xi32, #tpu.memory_space<hbm>>
      %dma_wait3A_62 = tpu.memref_squeeze %dma_wait3A_61 : memref<1x80x128xi32, #tpu.memory_space<hbm>> -> memref<80x128xi32, #tpu.memory_space<hbm>>
      tpu.wait_dma2 semaphore(%run_scoped3A : memref<!tpu.dma_semaphore, #tpu.memory_space<semaphore_mem>>) src(%dma_wait3A_62 : memref<80x128xi32, #tpu.memory_space<hbm>>) dst(%arg4 : memref<80x128xi32, #tpu.memory_space<vmem>>)
      tpu.yield
    }) : () -> ()
    %broadcast_in_dim3A = arith.constant 1.000000e+00 : f32
    %broadcast_in_dim3A_1 = vector.broadcast %broadcast_in_dim3A : f32 to vector<16xf32>
    %scan3A = arith.constant 0 : i32
    %scan3A_2 = arith.constant 0 : i32
    %scan3A_3 = arith.constant 128 : i32
    %scan3A_4 = arith.addi %scan3A_2, %scan3A_3 : i32
    %scan3A_5 = arith.constant 1 : i32
    %scan3A_6 = scf.for %scan3A_49 = %scan3A_2 to %scan3A_4 step %scan3A_5 iter_args(%scan3A_50 = %scan3A) -> (i32)  : i32 {
      %swap3A = arith.index_cast %scan3A_49 : i32 to index
      %swap3A_51 = arith.constant 0 : index
      %swap3A_52 = tpu.vector_load %arg5[%swap3A, %swap3A_51] {strides = array<i32>} : memref<128x16xf32, #tpu.memory_space<vmem>>, vector<1x16xf32>,
      %swap3A_53 = vector.shape_cast %swap3A_52 : vector<1x16xf32> to vector<16xf32>
      %swap3A_54 = vector.shape_cast %broadcast_in_dim3A_1 : vector<16xf32> to vector<1x16xf32>
      tpu.vector_store %arg5[%swap3A, %swap3A_51], %swap3A_54 {strides = array<i32>} : memref<128x16xf32, #tpu.memory_space<vmem>>, vector<1x16xf32>,
      %scan3A_55 = arith.constant 0 : i32
      scf.yield %scan3A_55 : i32
    }
    %scan3A_7 = arith.constant 128 : i32
    %broadcast_in_dim3A_8 = arith.constant 0.000000e+00 : f32
    %broadcast_in_dim3A_9 = vector.broadcast %broadcast_in_dim3A_8 : f32 to vector<16xf32>
    %scan3A_10 = arith.constant 0 : i32
    %scan3A_11 = arith.constant 0 : i32
    %scan3A_12 = arith.constant 128 : i32
    %scan3A_13 = arith.addi %scan3A_11, %scan3A_12 : i32
    %scan3A_14 = arith.constant 1 : i32
    %scan3A_15 = scf.for %scan3A_49 = %scan3A_11 to %scan3A_13 step %scan3A_14 iter_args(%scan3A_50 = %scan3A_10) -> (i32)  : i32 {
      %swap3A = arith.index_cast %scan3A_49 : i32 to index
      %swap3A_51 = arith.constant 0 : index
      %swap3A_52 = tpu.vector_load %arg6[%swap3A, %swap3A_51] {strides = array<i32>} : memref<128x16xf32, #tpu.memory_space<vmem>>, vector<1x16xf32>,
      %swap3A_53 = vector.shape_cast %swap3A_52 : vector<1x16xf32> to vector<16xf32>
      %swap3A_54 = vector.shape_cast %broadcast_in_dim3A_9 : vector<16xf32> to vector<1x16xf32>
      tpu.vector_store %arg6[%swap3A, %swap3A_51], %swap3A_54 {strides = array<i32>} : memref<128x16xf32, #tpu.memory_space<vmem>>, vector<1x16xf32>,
      %scan3A_55 = arith.constant 0 : i32
      scf.yield %scan3A_55 : i32
    }
    %scan3A_16 = arith.constant 128 : i32
    %mul3A_17 = arith.constant 640 : i32
    %mul3A_18 = arith.muli %arg1, %mul3A_17 : i32
    %add3A_19 = arith.constant 0 : i32
    %add3A_20 = arith.addi %mul3A_18, %add3A_19 : i32
    "tpu.region"() ({
      %run_scoped3A = tpu.sem_alloc : memref<!tpu.dma_semaphore, #tpu.memory_space<semaphore_mem>>
      %dma_start3A = arith.constant 0 : i32
      %dma_start3A_49 = tpu.memref_slice %arg7[%add3A_20, %dma_start3A] : memref<10240x16xf32, #tpu.memory_space<vmem_shared>> -> memref<128x16xf32, #tpu.memory_space<vmem_shared>>
      %dma_start3A_50 = arith.constant 0 : i32
      %dma_start3A_51 = tpu.memref_slice %arg7[%add3A_20, %dma_start3A_50] : memref<10240x16xf32, #tpu.memory_space<vmem_shared>> -> memref<128x16xf32, #tpu.memory_space<vmem_shared>>
      tpu.enqueue_dma source(%arg6 : memref<128x16xf32, #tpu.memory_space<vmem>>) target(%dma_start3A_51 : memref<128x16xf32, #tpu.memory_space<vmem_shared>>) target_semaphore(%run_scoped3A : memref<!tpu.dma_semaphore, #tpu.memory_space<semaphore_mem>>)
      %dma_wait3A = arith.constant 0 : i32
      %dma_wait3A_52 = tpu.memref_slice %arg7[%add3A_20, %dma_wait3A] : memref<10240x16xf32, #tpu.memory_space<vmem_shared>> -> memref<128x16xf32, #tpu.memory_space<vmem_shared>>
      %dma_wait3A_53 = arith.constant 0 : i32
      %dma_wait3A_54 = tpu.memref_slice %arg7[%add3A_20, %dma_wait3A_53] : memref<10240x16xf32, #tpu.memory_space<vmem_shared>> -> memref<128x16xf32, #tpu.memory_space<vmem_shared>>
      tpu.wait_dma2 semaphore(%run_scoped3A : memref<!tpu.dma_semaphore, #tpu.memory_space<semaphore_mem>>) src(%arg6 : memref<128x16xf32, #tpu.memory_space<vmem>>) dst(%dma_wait3A_54 : memref<128x16xf32, #tpu.memory_space<vmem_shared>>)
      tpu.yield
    }) : () -> ()
    %mul3A_21 = arith.constant 640 : i32
    %mul3A_22 = arith.muli %arg1, %mul3A_21 : i32
    %add3A_23 = arith.constant 128 : i32
    %add3A_24 = arith.addi %mul3A_22, %add3A_23 : i32
    "tpu.region"() ({
      %run_scoped3A = tpu.sem_alloc : memref<!tpu.dma_semaphore, #tpu.memory_space<semaphore_mem>>
      %dma_start3A = arith.constant 0 : i32
      %dma_start3A_49 = tpu.memref_slice %arg7[%add3A_24, %dma_start3A] : memref<10240x16xf32, #tpu.memory_space<vmem_shared>> -> memref<128x16xf32, #tpu.memory_space<vmem_shared>>
      %dma_start3A_50 = arith.constant 0 : i32
      %dma_start3A_51 = tpu.memref_slice %arg7[%add3A_24, %dma_start3A_50] : memref<10240x16xf32, #tpu.memory_space<vmem_shared>> -> memref<128x16xf32, #tpu.memory_space<vmem_shared>>
      tpu.enqueue_dma source(%arg6 : memref<128x16xf32, #tpu.memory_space<vmem>>) target(%dma_start3A_51 : memref<128x16xf32, #tpu.memory_space<vmem_shared>>) target_semaphore(%run_scoped3A : memref<!tpu.dma_semaphore, #tpu.memory_space<semaphore_mem>>)
      %dma_wait3A = arith.constant 0 : i32
      %dma_wait3A_52 = tpu.memref_slice %arg7[%add3A_24, %dma_wait3A] : memref<10240x16xf32, #tpu.memory_space<vmem_shared>> -> memref<128x16xf32, #tpu.memory_space<vmem_shared>>
      %dma_wait3A_53 = arith.constant 0 : i32
      %dma_wait3A_54 = tpu.memref_slice %arg7[%add3A_24, %dma_wait3A_53] : memref<10240x16xf32, #tpu.memory_space<vmem_shared>> -> memref<128x16xf32, #tpu.memory_space<vmem_shared>>
      tpu.wait_dma2 semaphore(%run_scoped3A : memref<!tpu.dma_semaphore, #tpu.memory_space<semaphore_mem>>) src(%arg6 : memref<128x16xf32, #tpu.memory_space<vmem>>) dst(%dma_wait3A_54 : memref<128x16xf32, #tpu.memory_space<vmem_shared>>)
      tpu.yield
    }) : () -> ()
    %mul3A_25 = arith.constant 640 : i32
    %mul3A_26 = arith.muli %arg1, %mul3A_25 : i32
    %add3A_27 = arith.constant 256 : i32
    %add3A_28 = arith.addi %mul3A_26, %add3A_27 : i32
    "tpu.region"() ({
      %run_scoped3A = tpu.sem_alloc : memref<!tpu.dma_semaphore, #tpu.memory_space<semaphore_mem>>
      %dma_start3A = arith.constant 0 : i32
      %dma_start3A_49 = tpu.memref_slice %arg7[%add3A_28, %dma_start3A] : memref<10240x16xf32, #tpu.memory_space<vmem_shared>> -> memref<128x16xf32, #tpu.memory_space<vmem_shared>>
      %dma_start3A_50 = arith.constant 0 : i32
      %dma_start3A_51 = tpu.memref_slice %arg7[%add3A_28, %dma_start3A_50] : memref<10240x16xf32, #tpu.memory_space<vmem_shared>> -> memref<128x16xf32, #tpu.memory_space<vmem_shared>>
      tpu.enqueue_dma source(%arg6 : memref<128x16xf32, #tpu.memory_space<vmem>>) target(%dma_start3A_51 : memref<128x16xf32, #tpu.memory_space<vmem_shared>>) target_semaphore(%run_scoped3A : memref<!tpu.dma_semaphore, #tpu.memory_space<semaphore_mem>>)
      %dma_wait3A = arith.constant 0 : i32
      %dma_wait3A_52 = tpu.memref_slice %arg7[%add3A_28, %dma_wait3A] : memref<10240x16xf32, #tpu.memory_space<vmem_shared>> -> memref<128x16xf32, #tpu.memory_space<vmem_shared>>
      %dma_wait3A_53 = arith.constant 0 : i32
      %dma_wait3A_54 = tpu.memref_slice %arg7[%add3A_28, %dma_wait3A_53] : memref<10240x16xf32, #tpu.memory_space<vmem_shared>> -> memref<128x16xf32, #tpu.memory_space<vmem_shared>>
      tpu.wait_dma2 semaphore(%run_scoped3A : memref<!tpu.dma_semaphore, #tpu.memory_space<semaphore_mem>>) src(%arg6 : memref<128x16xf32, #tpu.memory_space<vmem>>) dst(%dma_wait3A_54 : memref<128x16xf32, #tpu.memory_space<vmem_shared>>)
      tpu.yield
    }) : () -> ()
    %mul3A_29 = arith.constant 640 : i32
    %mul3A_30 = arith.muli %arg1, %mul3A_29 : i32
    %add3A_31 = arith.constant 384 : i32
    %add3A_32 = arith.addi %mul3A_30, %add3A_31 : i32
    "tpu.region"() ({
      %run_scoped3A = tpu.sem_alloc : memref<!tpu.dma_semaphore, #tpu.memory_space<semaphore_mem>>
      %dma_start3A = arith.constant 0 : i32
      %dma_start3A_49 = tpu.memref_slice %arg7[%add3A_32, %dma_start3A] : memref<10240x16xf32, #tpu.memory_space<vmem_shared>> -> memref<128x16xf32, #tpu.memory_space<vmem_shared>>
      %dma_start3A_50 = arith.constant 0 : i32
      %dma_start3A_51 = tpu.memref_slice %arg7[%add3A_32, %dma_start3A_50] : memref<10240x16xf32, #tpu.memory_space<vmem_shared>> -> memref<128x16xf32, #tpu.memory_space<vmem_shared>>
      tpu.enqueue_dma source(%arg6 : memref<128x16xf32, #tpu.memory_space<vmem>>) target(%dma_start3A_51 : memref<128x16xf32, #tpu.memory_space<vmem_shared>>) target_semaphore(%run_scoped3A : memref<!tpu.dma_semaphore, #tpu.memory_space<semaphore_mem>>)
      %dma_wait3A = arith.constant 0 : i32
      %dma_wait3A_52 = tpu.memref_slice %arg7[%add3A_32, %dma_wait3A] : memref<10240x16xf32, #tpu.memory_space<vmem_shared>> -> memref<128x16xf32, #tpu.memory_space<vmem_shared>>
      %dma_wait3A_53 = arith.constant 0 : i32
      %dma_wait3A_54 = tpu.memref_slice %arg7[%add3A_32, %dma_wait3A_53] : memref<10240x16xf32, #tpu.memory_space<vmem_shared>> -> memref<128x16xf32, #tpu.memory_space<vmem_shared>>
      tpu.wait_dma2 semaphore(%run_scoped3A : memref<!tpu.dma_semaphore, #tpu.memory_space<semaphore_mem>>) src(%arg6 : memref<128x16xf32, #tpu.memory_space<vmem>>) dst(%dma_wait3A_54 : memref<128x16xf32, #tpu.memory_space<vmem_shared>>)
      tpu.yield
    }) : () -> ()
    %mul3A_33 = arith.constant 640 : i32
    %mul3A_34 = arith.muli %arg1, %mul3A_33 : i32
    %add3A_35 = arith.constant 512 : i32
    %add3A_36 = arith.addi %mul3A_34, %add3A_35 : i32
    "tpu.region"() ({
      %run_scoped3A = tpu.sem_alloc : memref<!tpu.dma_semaphore, #tpu.memory_space<semaphore_mem>>
      %dma_start3A = arith.constant 0 : i32
      %dma_start3A_49 = tpu.memref_slice %arg7[%add3A_36, %dma_start3A] : memref<10240x16xf32, #tpu.memory_space<vmem_shared>> -> memref<128x16xf32, #tpu.memory_space<vmem_shared>>
      %dma_start3A_50 = arith.constant 0 : i32
      %dma_start3A_51 = tpu.memref_slice %arg7[%add3A_36, %dma_start3A_50] : memref<10240x16xf32, #tpu.memory_space<vmem_shared>> -> memref<128x16xf32, #tpu.memory_space<vmem_shared>>
      tpu.enqueue_dma source(%arg6 : memref<128x16xf32, #tpu.memory_space<vmem>>) target(%dma_start3A_51 : memref<128x16xf32, #tpu.memory_space<vmem_shared>>) target_semaphore(%run_scoped3A : memref<!tpu.dma_semaphore, #tpu.memory_space<semaphore_mem>>)
      %dma_wait3A = arith.constant 0 : i32
      %dma_wait3A_52 = tpu.memref_slice %arg7[%add3A_36, %dma_wait3A] : memref<10240x16xf32, #tpu.memory_space<vmem_shared>> -> memref<128x16xf32, #tpu.memory_space<vmem_shared>>
      %dma_wait3A_53 = arith.constant 0 : i32
      %dma_wait3A_54 = tpu.memref_slice %arg7[%add3A_36, %dma_wait3A_53] : memref<10240x16xf32, #tpu.memory_space<vmem_shared>> -> memref<128x16xf32, #tpu.memory_space<vmem_shared>>
      tpu.wait_dma2 semaphore(%run_scoped3A : memref<!tpu.dma_semaphore, #tpu.memory_space<semaphore_mem>>) src(%arg6 : memref<128x16xf32, #tpu.memory_space<vmem>>) dst(%dma_wait3A_54 : memref<128x16xf32, #tpu.memory_space<vmem_shared>>)
      tpu.yield
    }) : () -> ()
    %barrier3A = arith.constant 0 : index
    tpu.barrier barrier_id(%barrier3A)
    %scan3A_37 = arith.constant 0 : i32
    %scan3A_38 = arith.constant 0 : i32
    %scan3A_39 = arith.constant 80 : i32
    %scan3A_40 = arith.addi %scan3A_38, %scan3A_39 : i32
    %scan3A_41 = arith.constant 1 : i32
    %scan3A_42 = scf.for %scan3A_49 = %scan3A_38 to %scan3A_40 step %scan3A_41 iter_args(%scan3A_50 = %scan3A_37) -> (i32)  : i32 {
      "tpu.region"() ({
        %run_scoped3A = tpu.sem_alloc : memref<!tpu.dma_semaphore, #tpu.memory_space<semaphore_mem>>
        %dma_start3A = arith.constant 0 : i32
        %dma_start3A_52 = tpu.memref_slice %arg4[%scan3A_49, %dma_start3A] : memref<80x128xi32, #tpu.memory_space<vmem>> -> memref<1x128xi32, #tpu.memory_space<vmem>>
        %dma_start3A_53 = tpu.memref_squeeze %dma_start3A_52 : memref<1x128xi32, #tpu.memory_space<vmem>> -> memref<128xi32, #tpu.memory_space<vmem>>
        %dma_start3A_54 = arith.constant 0 : i32
        %dma_start3A_55 = arith.constant 0 : i32
        %dma_start3A_56 = tpu.memref_slice %arg7[%dma_start3A_54, %dma_start3A_55] : memref<10240x16xf32, #tpu.memory_space<vmem_shared>> -> memref<10240x16xf32, #tpu.memory_space<vmem_shared>>
        tpu.enqueue_indirect_dma source(%arg5 : memref<128x16xf32, #tpu.memory_space<vmem>>) target(%dma_start3A_56 : memref<10240x16xf32, #tpu.memory_space<vmem_shared>>) offsets(%dma_start3A_53 : memref<128xi32, #tpu.memory_space<vmem>>) semaphore(%run_scoped3A : memref<!tpu.dma_semaphore, #tpu.memory_space<semaphore_mem>>) {add = true}
        %dma_wait3A = arith.constant 0 : i32
        %dma_wait3A_57 = tpu.memref_slice %arg4[%scan3A_49, %dma_wait3A] : memref<80x128xi32, #tpu.memory_space<vmem>> -> memref<1x128xi32, #tpu.memory_space<vmem>>
        %dma_wait3A_58 = tpu.memref_squeeze %dma_wait3A_57 : memref<1x128xi32, #tpu.memory_space<vmem>> -> memref<128xi32, #tpu.memory_space<vmem>>
        %dma_wait3A_59 = arith.constant 0 : i32
        %dma_wait3A_60 = arith.constant 0 : i32
        %dma_wait3A_61 = tpu.memref_slice %arg7[%dma_wait3A_59, %dma_wait3A_60] : memref<10240x16xf32, #tpu.memory_space<vmem_shared>> -> memref<10240x16xf32, #tpu.memory_space<vmem_shared>>
        tpu.wait_indirect_dma semaphore(%run_scoped3A : memref<!tpu.dma_semaphore, #tpu.memory_space<semaphore_mem>>) src(%arg5 : memref<128x16xf32, #tpu.memory_space<vmem>>) dst(%dma_wait3A_61 : memref<10240x16xf32, #tpu.memory_space<vmem_shared>>)
        tpu.yield
      }) : () -> ()
      %scan3A_51 = arith.constant 0 : i32
      scf.yield %scan3A_51 : i32
    }
    %scan3A_43 = arith.constant 80 : i32
    %barrier3A_44 = arith.constant 0 : index
    tpu.barrier barrier_id(%barrier3A_44)
    %mul3A_45 = arith.constant 640 : i32
    %mul3A_46 = arith.muli %arg1, %mul3A_45 : i32
    %mul3A_47 = arith.constant 640 : i32
    %mul3A_48 = arith.muli %arg1, %mul3A_47 : i32
    "tpu.region"() ({
      %run_scoped3A = tpu.sem_alloc : memref<!tpu.dma_semaphore, #tpu.memory_space<semaphore_mem>>
      %dma_start3A = arith.constant 0 : i32
      %dma_start3A_49 = tpu.memref_slice %arg3[%arg0, %mul3A_48, %dma_start3A] : memref<2x10240x16xf32, #tpu.memory_space<hbm>> -> memref<1x640x16xf32, #tpu.memory_space<hbm>>
      %dma_start3A_50 = tpu.memref_squeeze %dma_start3A_49 : memref<1x640x16xf32, #tpu.memory_space<hbm>> -> memref<640x16xf32, #tpu.memory_space<hbm>>
      %dma_start3A_51 = arith.constant 0 : i32
      %dma_start3A_52 = tpu.memref_slice %arg7[%mul3A_46, %dma_start3A_51] : memref<10240x16xf32, #tpu.memory_space<vmem_shared>> -> memref<640x16xf32, #tpu.memory_space<vmem_shared>>
      tpu.enqueue_dma source(%dma_start3A_52 : memref<640x16xf32, #tpu.memory_space<vmem_shared>>) target(%dma_start3A_50 : memref<640x16xf32, #tpu.memory_space<hbm>>) target_semaphore(%run_scoped3A : memref<!tpu.dma_semaphore, #tpu.memory_space<semaphore_mem>>)
      %dma_wait3A = arith.constant 0 : i32
      %dma_wait3A_53 = tpu.memref_slice %arg3[%arg0, %mul3A_48, %dma_wait3A] : memref<2x10240x16xf32, #tpu.memory_space<hbm>> -> memref<1x640x16xf32, #tpu.memory_space<hbm>>
      %dma_wait3A_54 = tpu.memref_squeeze %dma_wait3A_53 : memref<1x640x16xf32, #tpu.memory_space<hbm>> -> memref<640x16xf32, #tpu.memory_space<hbm>>
      %dma_wait3A_55 = arith.constant 0 : i32
      %dma_wait3A_56 = tpu.memref_slice %arg7[%mul3A_46, %dma_wait3A_55] : memref<10240x16xf32, #tpu.memory_space<vmem_shared>> -> memref<640x16xf32, #tpu.memory_space<vmem_shared>>
      tpu.wait_dma2 semaphore(%run_scoped3A : memref<!tpu.dma_semaphore, #tpu.memory_space<semaphore_mem>>) src(%dma_wait3A_56 : memref<640x16xf32, #tpu.memory_space<vmem_shared>>) dst(%dma_wait3A_54 : memref<640x16xf32, #tpu.memory_space<hbm>>)
      tpu.yield
    }) : () -> ()
    return
  }
}

#map = affine_map<(d0, d1) -> (0, 0, 0)>
#map1 = affine_map<(d0, d1) -> (0, 0)>
module attributes {stable_mosaic.version = 14 : i64} {
  func.func @_sc_aggregate(%arg0: i32, %arg1: i32, %arg2: memref<32x80x128xi32, #tpu.memory_space<hbm>>, %arg3: memref<32x80x128xi32, #tpu.memory_space<hbm>>, %arg4: memref<10000x128xf32, #tpu.memory_space<hbm>>, %arg5: memref<640x128xf32, #tpu.memory_space<hbm>>, %arg6: memref<2x10240x128xf32, #tpu.memory_space<hbm>>, %arg7: memref<80x128xi32, #tpu.memory_space<vmem>>, %arg8: memref<80x128xi32, #tpu.memory_space<vmem>>, %arg9: memref<128x128xf32, #tpu.memory_space<vmem>>, %arg10: memref<10240x128xf32, #tpu.memory_space<vmem_shared>>, %arg11: memref<!tpu.dma_semaphore, #tpu.memory_space<semaphore_mem>>) attributes {dimension_semantics = [#tpu.dimension_semantics<core_parallel>, #tpu.dimension_semantics<subcore_parallel>], iteration_bounds = array<i64: 2, 16>, scalar_prefetch = 0 : i64, scratch_operands = 5 : i64, tpu.core_type = #tpu.core_type<sc_vector_subcore>, window_params = [{transform_indices = #map}, {transform_indices = #map}, {transform_indices = #map1}, {transform_indices = #map1}, {transform_indices = #map}]} {
    %mul3A = arith.constant 16 : i32
    %mul3A_0 = arith.muli %arg0, %mul3A : i32
    %add3A = arith.addi %mul3A_0, %arg1 : i32
    "tpu.region"() ({
      %run_scoped3A = tpu.sem_alloc : memref<!tpu.dma_semaphore, #tpu.memory_space<semaphore_mem>>
      %dma_start3A = arith.constant 0 : i32
      %dma_start3A_14 = arith.constant 0 : i32
      %dma_start3A_15 = tpu.memref_slice %arg2[%add3A, %dma_start3A, %dma_start3A_14] : memref<32x80x128xi32, #tpu.memory_space<hbm>> -> memref<1x80x128xi32, #tpu.memory_space<hbm>>
      %dma_start3A_16 = tpu.memref_squeeze %dma_start3A_15 : memref<1x80x128xi32, #tpu.memory_space<hbm>> -> memref<80x128xi32, #tpu.memory_space<hbm>>
      %dma_start3A_17 = arith.constant 0 : i32
      %dma_start3A_18 = arith.constant 0 : i32
      %dma_start3A_19 = tpu.memref_slice %arg2[%add3A, %dma_start3A_17, %dma_start3A_18] : memref<32x80x128xi32, #tpu.memory_space<hbm>> -> memref<1x80x128xi32, #tpu.memory_space<hbm>>
      %dma_start3A_20 = tpu.memref_squeeze %dma_start3A_19 : memref<1x80x128xi32, #tpu.memory_space<hbm>> -> memref<80x128xi32, #tpu.memory_space<hbm>>
      tpu.enqueue_dma source(%dma_start3A_20 : memref<80x128xi32, #tpu.memory_space<hbm>>) target(%arg7 : memref<80x128xi32, #tpu.memory_space<vmem>>) target_semaphore(%run_scoped3A : memref<!tpu.dma_semaphore, #tpu.memory_space<semaphore_mem>>)
      %dma_wait3A = arith.constant 0 : i32
      %dma_wait3A_21 = arith.constant 0 : i32
      %dma_wait3A_22 = tpu.memref_slice %arg2[%add3A, %dma_wait3A, %dma_wait3A_21] : memref<32x80x128xi32, #tpu.memory_space<hbm>> -> memref<1x80x128xi32, #tpu.memory_space<hbm>>
      %dma_wait3A_23 = tpu.memref_squeeze %dma_wait3A_22 : memref<1x80x128xi32, #tpu.memory_space<hbm>> -> memref<80x128xi32, #tpu.memory_space<hbm>>
      %dma_wait3A_24 = arith.constant 0 : i32
      %dma_wait3A_25 = arith.constant 0 : i32
      %dma_wait3A_26 = tpu.memref_slice %arg2[%add3A, %dma_wait3A_24, %dma_wait3A_25] : memref<32x80x128xi32, #tpu.memory_space<hbm>> -> memref<1x80x128xi32, #tpu.memory_space<hbm>>
      %dma_wait3A_27 = tpu.memref_squeeze %dma_wait3A_26 : memref<1x80x128xi32, #tpu.memory_space<hbm>> -> memref<80x128xi32, #tpu.memory_space<hbm>>
      tpu.wait_dma2 semaphore(%run_scoped3A : memref<!tpu.dma_semaphore, #tpu.memory_space<semaphore_mem>>) src(%dma_wait3A_27 : memref<80x128xi32, #tpu.memory_space<hbm>>) dst(%arg7 : memref<80x128xi32, #tpu.memory_space<vmem>>)
      tpu.yield
    }) : () -> ()
    "tpu.region"() ({
      %run_scoped3A = tpu.sem_alloc : memref<!tpu.dma_semaphore, #tpu.memory_space<semaphore_mem>>
      %dma_start3A = arith.constant 0 : i32
      %dma_start3A_14 = arith.constant 0 : i32
      %dma_start3A_15 = tpu.memref_slice %arg3[%add3A, %dma_start3A, %dma_start3A_14] : memref<32x80x128xi32, #tpu.memory_space<hbm>> -> memref<1x80x128xi32, #tpu.memory_space<hbm>>
      %dma_start3A_16 = tpu.memref_squeeze %dma_start3A_15 : memref<1x80x128xi32, #tpu.memory_space<hbm>> -> memref<80x128xi32, #tpu.memory_space<hbm>>
      %dma_start3A_17 = arith.constant 0 : i32
      %dma_start3A_18 = arith.constant 0 : i32
      %dma_start3A_19 = tpu.memref_slice %arg3[%add3A, %dma_start3A_17, %dma_start3A_18] : memref<32x80x128xi32, #tpu.memory_space<hbm>> -> memref<1x80x128xi32, #tpu.memory_space<hbm>>
      %dma_start3A_20 = tpu.memref_squeeze %dma_start3A_19 : memref<1x80x128xi32, #tpu.memory_space<hbm>> -> memref<80x128xi32, #tpu.memory_space<hbm>>
      tpu.enqueue_dma source(%dma_start3A_20 : memref<80x128xi32, #tpu.memory_space<hbm>>) target(%arg8 : memref<80x128xi32, #tpu.memory_space<vmem>>) target_semaphore(%run_scoped3A : memref<!tpu.dma_semaphore, #tpu.memory_space<semaphore_mem>>)
      %dma_wait3A = arith.constant 0 : i32
      %dma_wait3A_21 = arith.constant 0 : i32
      %dma_wait3A_22 = tpu.memref_slice %arg3[%add3A, %dma_wait3A, %dma_wait3A_21] : memref<32x80x128xi32, #tpu.memory_space<hbm>> -> memref<1x80x128xi32, #tpu.memory_space<hbm>>
      %dma_wait3A_23 = tpu.memref_squeeze %dma_wait3A_22 : memref<1x80x128xi32, #tpu.memory_space<hbm>> -> memref<80x128xi32, #tpu.memory_space<hbm>>
      %dma_wait3A_24 = arith.constant 0 : i32
      %dma_wait3A_25 = arith.constant 0 : i32
      %dma_wait3A_26 = tpu.memref_slice %arg3[%add3A, %dma_wait3A_24, %dma_wait3A_25] : memref<32x80x128xi32, #tpu.memory_space<hbm>> -> memref<1x80x128xi32, #tpu.memory_space<hbm>>
      %dma_wait3A_27 = tpu.memref_squeeze %dma_wait3A_26 : memref<1x80x128xi32, #tpu.memory_space<hbm>> -> memref<80x128xi32, #tpu.memory_space<hbm>>
      tpu.wait_dma2 semaphore(%run_scoped3A : memref<!tpu.dma_semaphore, #tpu.memory_space<semaphore_mem>>) src(%dma_wait3A_27 : memref<80x128xi32, #tpu.memory_space<hbm>>) dst(%arg8 : memref<80x128xi32, #tpu.memory_space<vmem>>)
      tpu.yield
    }) : () -> ()
    %mul3A_1 = arith.constant 640 : i32
    %mul3A_2 = arith.muli %arg1, %mul3A_1 : i32
    "tpu.region"() ({
      %run_scoped3A = tpu.sem_alloc : memref<!tpu.dma_semaphore, #tpu.memory_space<semaphore_mem>>
      %dma_start3A = arith.constant 0 : i32
      %dma_start3A_14 = tpu.memref_slice %arg10[%mul3A_2, %dma_start3A] : memref<10240x128xf32, #tpu.memory_space<vmem_shared>> -> memref<640x128xf32, #tpu.memory_space<vmem_shared>>
      tpu.enqueue_dma source(%arg5 : memref<640x128xf32, #tpu.memory_space<hbm>>) target(%dma_start3A_14 : memref<640x128xf32, #tpu.memory_space<vmem_shared>>) target_semaphore(%run_scoped3A : memref<!tpu.dma_semaphore, #tpu.memory_space<semaphore_mem>>)
      %dma_wait3A = arith.constant 0 : i32
      %dma_wait3A_15 = tpu.memref_slice %arg10[%mul3A_2, %dma_wait3A] : memref<10240x128xf32, #tpu.memory_space<vmem_shared>> -> memref<640x128xf32, #tpu.memory_space<vmem_shared>>
      tpu.wait_dma2 semaphore(%run_scoped3A : memref<!tpu.dma_semaphore, #tpu.memory_space<semaphore_mem>>) src(%arg5 : memref<640x128xf32, #tpu.memory_space<hbm>>) dst(%dma_wait3A_15 : memref<640x128xf32, #tpu.memory_space<vmem_shared>>)
      tpu.yield
    }) : () -> ()
    %barrier3A = arith.constant 0 : index
    tpu.barrier barrier_id(%barrier3A)
    %scan3A = arith.constant 0 : i32
    %scan3A_3 = arith.constant 0 : i32
    %scan3A_4 = arith.constant 80 : i32
    %scan3A_5 = arith.addi %scan3A_3, %scan3A_4 : i32
    %scan3A_6 = arith.constant 1 : i32
    %scan3A_7 = scf.for %scan3A_14 = %scan3A_3 to %scan3A_5 step %scan3A_6 iter_args(%scan3A_15 = %scan3A) -> (i32)  : i32 {
      %dma_start3A = arith.constant 0 : i32
      %dma_start3A_16 = tpu.memref_slice %arg7[%scan3A_14, %dma_start3A] : memref<80x128xi32, #tpu.memory_space<vmem>> -> memref<1x128xi32, #tpu.memory_space<vmem>>
      %dma_start3A_17 = tpu.memref_squeeze %dma_start3A_16 : memref<1x128xi32, #tpu.memory_space<vmem>> -> memref<128xi32, #tpu.memory_space<vmem>>
      %dma_start3A_18 = arith.constant 0 : i32
      %dma_start3A_19 = arith.constant 0 : i32
      %dma_start3A_20 = tpu.memref_slice %arg4[%dma_start3A_18, %dma_start3A_19] : memref<10000x128xf32, #tpu.memory_space<hbm>> -> memref<10000x128xf32, #tpu.memory_space<hbm>>
      tpu.enqueue_indirect_dma source(%dma_start3A_20 : memref<10000x128xf32, #tpu.memory_space<hbm>>) target(%arg9 : memref<128x128xf32, #tpu.memory_space<vmem>>) offsets(%dma_start3A_17 : memref<128xi32, #tpu.memory_space<vmem>>) semaphore(%arg11 : memref<!tpu.dma_semaphore, #tpu.memory_space<semaphore_mem>>)
      %dma_wait3A = arith.constant 0 : i32
      %dma_wait3A_21 = tpu.memref_slice %arg7[%scan3A_14, %dma_wait3A] : memref<80x128xi32, #tpu.memory_space<vmem>> -> memref<1x128xi32, #tpu.memory_space<vmem>>
      %dma_wait3A_22 = tpu.memref_squeeze %dma_wait3A_21 : memref<1x128xi32, #tpu.memory_space<vmem>> -> memref<128xi32, #tpu.memory_space<vmem>>
      %dma_wait3A_23 = arith.constant 0 : i32
      %dma_wait3A_24 = arith.constant 0 : i32
      %dma_wait3A_25 = tpu.memref_slice %arg4[%dma_wait3A_23, %dma_wait3A_24] : memref<10000x128xf32, #tpu.memory_space<hbm>> -> memref<10000x128xf32, #tpu.memory_space<hbm>>
      tpu.wait_indirect_dma semaphore(%arg11 : memref<!tpu.dma_semaphore, #tpu.memory_space<semaphore_mem>>) src(%dma_wait3A_25 : memref<10000x128xf32, #tpu.memory_space<hbm>>) dst(%arg9 : memref<128x128xf32, #tpu.memory_space<vmem>>)
      "tpu.region"() ({
        %run_scoped3A = tpu.sem_alloc : memref<!tpu.dma_semaphore, #tpu.memory_space<semaphore_mem>>
        %dma_start3A_27 = arith.constant 0 : i32
        %dma_start3A_28 = tpu.memref_slice %arg8[%scan3A_14, %dma_start3A_27] : memref<80x128xi32, #tpu.memory_space<vmem>> -> memref<1x128xi32, #tpu.memory_space<vmem>>
        %dma_start3A_29 = tpu.memref_squeeze %dma_start3A_28 : memref<1x128xi32, #tpu.memory_space<vmem>> -> memref<128xi32, #tpu.memory_space<vmem>>
        %dma_start3A_30 = arith.constant 0 : i32
        %dma_start3A_31 = arith.constant 0 : i32
        %dma_start3A_32 = tpu.memref_slice %arg10[%dma_start3A_30, %dma_start3A_31] : memref<10240x128xf32, #tpu.memory_space<vmem_shared>> -> memref<10240x128xf32, #tpu.memory_space<vmem_shared>>
        tpu.enqueue_indirect_dma source(%arg9 : memref<128x128xf32, #tpu.memory_space<vmem>>) target(%dma_start3A_32 : memref<10240x128xf32, #tpu.memory_space<vmem_shared>>) offsets(%dma_start3A_29 : memref<128xi32, #tpu.memory_space<vmem>>) semaphore(%run_scoped3A : memref<!tpu.dma_semaphore, #tpu.memory_space<semaphore_mem>>) {add = true}
        %dma_wait3A_33 = arith.constant 0 : i32
        %dma_wait3A_34 = tpu.memref_slice %arg8[%scan3A_14, %dma_wait3A_33] : memref<80x128xi32, #tpu.memory_space<vmem>> -> memref<1x128xi32, #tpu.memory_space<vmem>>
        %dma_wait3A_35 = tpu.memref_squeeze %dma_wait3A_34 : memref<1x128xi32, #tpu.memory_space<vmem>> -> memref<128xi32, #tpu.memory_space<vmem>>
        %dma_wait3A_36 = arith.constant 0 : i32
        %dma_wait3A_37 = arith.constant 0 : i32
        %dma_wait3A_38 = tpu.memref_slice %arg10[%dma_wait3A_36, %dma_wait3A_37] : memref<10240x128xf32, #tpu.memory_space<vmem_shared>> -> memref<10240x128xf32, #tpu.memory_space<vmem_shared>>
        tpu.wait_indirect_dma semaphore(%run_scoped3A : memref<!tpu.dma_semaphore, #tpu.memory_space<semaphore_mem>>) src(%arg9 : memref<128x128xf32, #tpu.memory_space<vmem>>) dst(%dma_wait3A_38 : memref<10240x128xf32, #tpu.memory_space<vmem_shared>>)
        tpu.yield
      }) : () -> ()
      %scan3A_26 = arith.constant 0 : i32
      scf.yield %scan3A_26 : i32
    }
    %scan3A_8 = arith.constant 80 : i32
    %barrier3A_9 = arith.constant 0 : index
    tpu.barrier barrier_id(%barrier3A_9)
    %mul3A_10 = arith.constant 640 : i32
    %mul3A_11 = arith.muli %arg1, %mul3A_10 : i32
    %mul3A_12 = arith.constant 640 : i32
    %mul3A_13 = arith.muli %arg1, %mul3A_12 : i32
    "tpu.region"() ({
      %run_scoped3A = tpu.sem_alloc : memref<!tpu.dma_semaphore, #tpu.memory_space<semaphore_mem>>
      %dma_start3A = arith.constant 0 : i32
      %dma_start3A_14 = tpu.memref_slice %arg6[%arg0, %mul3A_13, %dma_start3A] : memref<2x10240x128xf32, #tpu.memory_space<hbm>> -> memref<1x640x128xf32, #tpu.memory_space<hbm>>
      %dma_start3A_15 = tpu.memref_squeeze %dma_start3A_14 : memref<1x640x128xf32, #tpu.memory_space<hbm>> -> memref<640x128xf32, #tpu.memory_space<hbm>>
      %dma_start3A_16 = arith.constant 0 : i32
      %dma_start3A_17 = tpu.memref_slice %arg10[%mul3A_11, %dma_start3A_16] : memref<10240x128xf32, #tpu.memory_space<vmem_shared>> -> memref<640x128xf32, #tpu.memory_space<vmem_shared>>
      tpu.enqueue_dma source(%dma_start3A_17 : memref<640x128xf32, #tpu.memory_space<vmem_shared>>) target(%dma_start3A_15 : memref<640x128xf32, #tpu.memory_space<hbm>>) target_semaphore(%run_scoped3A : memref<!tpu.dma_semaphore, #tpu.memory_space<semaphore_mem>>)
      %dma_wait3A = arith.constant 0 : i32
      %dma_wait3A_18 = tpu.memref_slice %arg6[%arg0, %mul3A_13, %dma_wait3A] : memref<2x10240x128xf32, #tpu.memory_space<hbm>> -> memref<1x640x128xf32, #tpu.memory_space<hbm>>
      %dma_wait3A_19 = tpu.memref_squeeze %dma_wait3A_18 : memref<1x640x128xf32, #tpu.memory_space<hbm>> -> memref<640x128xf32, #tpu.memory_space<hbm>>
      %dma_wait3A_20 = arith.constant 0 : i32
      %dma_wait3A_21 = tpu.memref_slice %arg10[%mul3A_11, %dma_wait3A_20] : memref<10240x128xf32, #tpu.memory_space<vmem_shared>> -> memref<640x128xf32, #tpu.memory_space<vmem_shared>>
      tpu.wait_dma2 semaphore(%run_scoped3A : memref<!tpu.dma_semaphore, #tpu.memory_space<semaphore_mem>>) src(%dma_wait3A_21 : memref<640x128xf32, #tpu.memory_space<vmem_shared>>) dst(%dma_wait3A_19 : memref<640x128xf32, #tpu.memory_space<hbm>>)
      tpu.yield
    }) : () -> ()
    return
  }
}

module attributes {stable_mosaic.version = 14 : i64} {
  func.func @_tc_matmul_body(%arg0: i32, %arg1: memref<1000x128xf32, #tpu.memory_space<vmem>>, %arg2: memref<128x128xf32, #tpu.memory_space<vmem>>, %arg3: memref<2x1000x16xf32, #tpu.memory_space<vmem>>, %arg4: memref<1000x128xf32, #tpu.memory_space<vmem>>) attributes {dimension_semantics = [#tpu.dimension_semantics<arbitrary>], iteration_bounds = array<i64: 10>, scalar_prefetch = 0 : i64, scratch_operands = 0 : i64, tpu.core_type = #tpu.core_type<tc>, window_params = [{transform_indices = @transform_0, window_bounds = array<i64: 1000, 128>}, {pipeline_mode = #tpu.pipeline_mode<synchronous>, transform_indices = @transform_1, window_bounds = array<i64: 128, 128>}, {transform_indices = @transform_2, window_bounds = array<i64: 2, 1000, 16>}, {transform_indices = @transform_3, window_bounds = array<i64: 1000, 128>}]} {
    %get3A = arith.constant 0 : index
    %get3A_0 = arith.constant 0 : index
    %get3A_1 = arith.constant 0 : index
    %get3A_2 = vector.load %arg3[%get3A, %get3A_0, %get3A_1] : memref<2x1000x16xf32, #tpu.memory_space<vmem>>, vector<1x1000x1xf32>
    %get3A_3 = vector.shape_cast %get3A_2 : vector<1x1000x1xf32> to vector<1000xf32>
    %get3A_4 = arith.constant 1 : index
    %get3A_5 = arith.constant 0 : index
    %get3A_6 = arith.constant 0 : index
    %get3A_7 = vector.load %arg3[%get3A_4, %get3A_5, %get3A_6] : memref<2x1000x16xf32, #tpu.memory_space<vmem>>, vector<1x1000x1xf32>
    %get3A_8 = vector.shape_cast %get3A_7 : vector<1x1000x1xf32> to vector<1000xf32>
    %add3A = arith.addf %get3A_3, %get3A_8 : vector<1000xf32>
    %add3A_9 = arith.constant 1.000000e+00 : f32
    %add3A_10 = vector.broadcast %add3A_9 : f32 to vector<1000xf32>
    %add3A_11 = arith.addf %add3A, %add3A_10 : vector<1000xf32>
    %rsqrt3A = math.rsqrt %add3A_11 : vector<1000xf32>
    %get3A_12 = arith.constant 0 : index
    %get3A_13 = arith.constant 0 : index
    %get3A_14 = vector.load %arg1[%get3A_12, %get3A_13] : memref<1000x128xf32, #tpu.memory_space<vmem>>, vector<1000x128xf32>
    %get3A_15 = arith.constant 0 : index
    %get3A_16 = arith.constant 0 : index
    %get3A_17 = vector.load %arg2[%get3A_15, %get3A_16] : memref<128x128xf32, #tpu.memory_space<vmem>>, vector<128x128xf32>
    %dot_general3A = arith.constant dense<0.000000e+00> : vector<1000x128xf32>
    %dot_general3A_18 = tpu.matmul %get3A_14, %get3A_17, %dot_general3A {dimension_numbers = #tpu.dot_dimension_numbers<[1], [0], [0], [1], [0, 0, 1, 1], [], []>, transpose_lhs_hint = false} : vector<1000x128xf32>, vector<128x128xf32>, vector<1000x128xf32> -> vector<1000x128xf32>
    %broadcast_in_dim3A = vector.shape_cast %rsqrt3A : vector<1000xf32> to vector<1000x1xf32>
    %mul3A = vector.broadcast %broadcast_in_dim3A : vector<1000x1xf32> to vector<1000x128xf32>
    %mul3A_19 = arith.mulf %dot_general3A_18, %mul3A : vector<1000x128xf32>
    %swap3A = arith.constant 0 : index
    %swap3A_20 = arith.constant 0 : index
    %swap3A_21 = vector.load %arg4[%swap3A, %swap3A_20] : memref<1000x128xf32, #tpu.memory_space<vmem>>, vector<1000x128xf32>
    tpu.vector_store %arg4[%swap3A, %swap3A_20], %mul3A_19 {strides = array<i32>} : memref<1000x128xf32, #tpu.memory_space<vmem>>, vector<1000x128xf32>,
    return
  }
  func.func @transform_0(%arg0: i32) -> (i32, i32) {
    %c0_i32 = arith.constant 0 : i32
    %c0_i32_0 = arith.constant 0 : i32
    return %arg0, %c0_i32 : i32, i32
  }
  func.func @transform_1(%arg0: i32) -> (i32, i32) {
    %c0_i32 = arith.constant 0 : i32
    %c0_i32_0 = arith.constant 0 : i32
    %c0_i32_1 = arith.constant 0 : i32
    return %c0_i32, %c0_i32_0 : i32, i32
  }
  func.func @transform_2(%arg0: i32) -> (i32, i32, i32) {
    %c0_i32 = arith.constant 0 : i32
    %c0_i32_0 = arith.constant 0 : i32
    %c0_i32_1 = arith.constant 0 : i32
    return %c0_i32, %arg0, %c0_i32_0 : i32, i32, i32
  }
  func.func @transform_3(%arg0: i32) -> (i32, i32) {
    %c0_i32 = arith.constant 0 : i32
    %c0_i32_0 = arith.constant 0 : i32
    return %arg0, %c0_i32 : i32, i32
  }
}

module attributes {stable_mosaic.version = 14 : i64} {
  func.func @_tc_epilogue_body(%arg0: i32, %arg1: memref<2x1000x128xf32, #tpu.memory_space<vmem>>, %arg2: memref<1000x128xf32, #tpu.memory_space<vmem>>, %arg3: memref<2x1000x16xf32, #tpu.memory_space<vmem>>, %arg4: memref<1x128xf32, #tpu.memory_space<vmem>>, %arg5: memref<1000x128xf32, #tpu.memory_space<vmem>>) attributes {dimension_semantics = [#tpu.dimension_semantics<arbitrary>], iteration_bounds = array<i64: 10>, scalar_prefetch = 0 : i64, scratch_operands = 0 : i64, tpu.core_type = #tpu.core_type<tc>, window_params = [{transform_indices = @transform_0, window_bounds = array<i64: 2, 1000, 128>}, {transform_indices = @transform_1, window_bounds = array<i64: 1000, 128>}, {transform_indices = @transform_2, window_bounds = array<i64: 2, 1000, 16>}, {pipeline_mode = #tpu.pipeline_mode<synchronous>, transform_indices = @transform_3, window_bounds = array<i64: 1, 128>}, {transform_indices = @transform_4, window_bounds = array<i64: 1000, 128>}]} {
    %get3A = arith.constant 0 : index
    %get3A_0 = arith.constant 0 : index
    %get3A_1 = arith.constant 0 : index
    %get3A_2 = vector.load %arg3[%get3A, %get3A_0, %get3A_1] : memref<2x1000x16xf32, #tpu.memory_space<vmem>>, vector<1x1000x1xf32>
    %get3A_3 = vector.shape_cast %get3A_2 : vector<1x1000x1xf32> to vector<1000xf32>
    %get3A_4 = arith.constant 1 : index
    %get3A_5 = arith.constant 0 : index
    %get3A_6 = arith.constant 0 : index
    %get3A_7 = vector.load %arg3[%get3A_4, %get3A_5, %get3A_6] : memref<2x1000x16xf32, #tpu.memory_space<vmem>>, vector<1x1000x1xf32>
    %get3A_8 = vector.shape_cast %get3A_7 : vector<1x1000x1xf32> to vector<1000xf32>
    %add3A = arith.addf %get3A_3, %get3A_8 : vector<1000xf32>
    %add3A_9 = arith.constant 1.000000e+00 : f32
    %add3A_10 = vector.broadcast %add3A_9 : f32 to vector<1000xf32>
    %add3A_11 = arith.addf %add3A, %add3A_10 : vector<1000xf32>
    %rsqrt3A = math.rsqrt %add3A_11 : vector<1000xf32>
    %get3A_12 = arith.constant 0 : index
    %get3A_13 = arith.constant 0 : index
    %get3A_14 = arith.constant 0 : index
    %get3A_15 = vector.load %arg1[%get3A_12, %get3A_13, %get3A_14] : memref<2x1000x128xf32, #tpu.memory_space<vmem>>, vector<1x1000x128xf32>
    %get3A_16 = vector.shape_cast %get3A_15 : vector<1x1000x128xf32> to vector<1000x128xf32>
    %get3A_17 = arith.constant 1 : index
    %get3A_18 = arith.constant 0 : index
    %get3A_19 = arith.constant 0 : index
    %get3A_20 = vector.load %arg1[%get3A_17, %get3A_18, %get3A_19] : memref<2x1000x128xf32, #tpu.memory_space<vmem>>, vector<1x1000x128xf32>
    %get3A_21 = vector.shape_cast %get3A_20 : vector<1x1000x128xf32> to vector<1000x128xf32>
    %add3A_22 = arith.addf %get3A_16, %get3A_21 : vector<1000x128xf32>
    %get3A_23 = arith.constant 0 : index
    %get3A_24 = arith.constant 0 : index
    %get3A_25 = vector.load %arg2[%get3A_23, %get3A_24] : memref<1000x128xf32, #tpu.memory_space<vmem>>, vector<1000x128xf32>
    %add3A_26 = arith.addf %add3A_22, %get3A_25 : vector<1000x128xf32>
    %broadcast_in_dim3A = vector.shape_cast %rsqrt3A : vector<1000xf32> to vector<1000x1xf32>
    %mul3A = vector.broadcast %broadcast_in_dim3A : vector<1000x1xf32> to vector<1000x128xf32>
    %mul3A_27 = arith.mulf %add3A_26, %mul3A : vector<1000x128xf32>
    %get3A_28 = arith.constant 0 : index
    %get3A_29 = arith.constant 0 : index
    %get3A_30 = vector.load %arg4[%get3A_28, %get3A_29] : memref<1x128xf32, #tpu.memory_space<vmem>>, vector<1x128xf32>
    %add3A_31 = vector.broadcast %get3A_30 : vector<1x128xf32> to vector<1000x128xf32>
    %add3A_32 = arith.addf %mul3A_27, %add3A_31 : vector<1000x128xf32>
    %max3A = arith.constant 0.000000e+00 : f32
    %max3A_33 = vector.broadcast %max3A : f32 to vector<1000x128xf32>
    %max3A_34 = arith.maximumf %add3A_32, %max3A_33 : vector<1000x128xf32>
    %swap3A = arith.constant 0 : index
    %swap3A_35 = arith.constant 0 : index
    %swap3A_36 = vector.load %arg5[%swap3A, %swap3A_35] : memref<1000x128xf32, #tpu.memory_space<vmem>>, vector<1000x128xf32>
    tpu.vector_store %arg5[%swap3A, %swap3A_35], %max3A_34 {strides = array<i32>} : memref<1000x128xf32, #tpu.memory_space<vmem>>, vector<1000x128xf32>,
    return
  }
  func.func @transform_0(%arg0: i32) -> (i32, i32, i32) {
    %c0_i32 = arith.constant 0 : i32
    %c0_i32_0 = arith.constant 0 : i32
    %c0_i32_1 = arith.constant 0 : i32
    return %c0_i32, %arg0, %c0_i32_0 : i32, i32, i32
  }
  func.func @transform_1(%arg0: i32) -> (i32, i32) {
    %c0_i32 = arith.constant 0 : i32
    %c0_i32_0 = arith.constant 0 : i32
    return %arg0, %c0_i32 : i32, i32
  }
  func.func @transform_2(%arg0: i32) -> (i32, i32, i32) {
    %c0_i32 = arith.constant 0 : i32
    %c0_i32_0 = arith.constant 0 : i32
    %c0_i32_1 = arith.constant 0 : i32
    return %c0_i32, %arg0, %c0_i32_0 : i32, i32, i32
  }
  func.func @transform_3(%arg0: i32) -> (i32, i32) {
    %c0_i32 = arith.constant 0 : i32
    %c0_i32_0 = arith.constant 0 : i32
    %c0_i32_1 = arith.constant 0 : i32
    return %c0_i32, %c0_i32_0 : i32, i32
  }
  func.func @transform_4(%arg0: i32) -> (i32, i32) {
    %c0_i32 = arith.constant 0 : i32
    %c0_i32_0 = arith.constant 0 : i32
    return %arg0, %c0_i32 : i32, i32
  }
}

</mosaic_0001>

<sc_bundles>
// kernel: kernel.6.cloned.1.call-start
scs
__scs_entry_jumppad:
0x0: {  	(pc) =	sbr.rel $0x88, $3  }
0x1: {  	(tag) =	ssettag $0x0;
	lr =	simm.s32 $0x1  }
0x2: {  	[smem:$0x3F9D] =	sst lr;
	_ =	strace $0xD0000000  }
0x3: {  	_ = 	snop  }
0x4: {  	_ = 	snop  }
0x5: {  	_ = 	snop  }
0x6: {  	_ = 	snop  }
0x7: {  	_ = 	snop  }
__scs_overlays_trampoline_lowered:
0x8: {  	[smem:$0x3FAC] =	sst s0  }
0x9: {  	[smem:$0x3FAD] =	sst s1  }
0xa: {  	[smem:$0x3FAE] =	sst s2  }
0xb: {  	[smem:$0x3FAF] =	sst s3  }
0xc: {  	[smem:$0x3FB0] =	sst s4  }
0xd: {  	[smem:$0x3FB1] =	sst s5  }
0xe: {  	[smem:$0x3FB2] =	sst s6  }
0xf: {  	[smem:$0x3FB3] =	sst s7  }
0x10: {  	[smem:$0x3FB4] =	sst s8  }
0x11: {  	[smem:$0x3FB5] =	sst s9;
	s0 =	simm.s32 @!p0 $0x0  }
0x12: {  	s1 =	sld [smem:$0x3F9B];
	s0 =	simm.s32 @p0 $0x1  }
0x13: {  	[smem:$0x3FB6] =	sst s0;
	s0 =	simm.s32 @!p1 $0x0  }
0x14: {  	s2 =	sld [smem:$0x3F9A];
	s0 =	simm.s32 @p1 $0x1  }
0x15: {  	[smem:$0x3FB7] =	sst s0;
	s0 =	simm.s32 @!p2 $0x0  }
0x16: {  	s3 =	sld [smem:$0x3FDB];
	s0 =	simm.s32 @p2 $0x1  }
0x17: {  	s4 =	simm.s32 $0x1BF5;
	[smem:$0x3FB9] =	sst s0  }
0x18: {  	s0 =	sld [smem:$0x3F9C];
	_ =	swait.ge [sflag:s4], $0x0  }
0x19: {  	s7 =	sld [smem:$0x3F9D]  }
0x1a: {  	s8 =	sadd.s32 $0xFFFFE003, lr  }
0x1b: {  	s9 =	sadd.s32 $0xFFFFFEF7, lr;
	s5 =	simm.s32 $0xFFFFFFFF;
	p2 =	slt.u32 s8, $0xFFFFF086  }
0x1c: {  	p1 =	slt.u32 s9, $0xF7A;
	s5 =	simm.s32 @!p2 $0x0  }
0x1d: {  	s5 =	simm.s32 @p1 $0x1;
	p0 =	seq.s32 s7, s2  }
0x1e: {  	s7 =	smul.u32 @!p0 $0xF7A, s2;
	p2 =	seq.s32 @!p0 s5, $0x0  }
0x1f: {  	s9 =	smul.u32 $0xF7A, s1;
	s8 =	simm.s32 @!p0 $0x1BF5;
	p2 =	por !p2, p0  }
0x20: {  	[sflag:s8] =	ssyncset.s32 @!p0 $0xFFFFF086;
	s6 =	sadd.s32 @!p0 s3, s7;
	s7 =	simm.s32 @!p0 $0x108  }
0x21: {  	s3 =	sadd.s32 s3, s9;
	s6 =	sadd.s32 @!p0 $0x88, s6;
	s7 =	simm.s32 @p2 $0x1082  }
0x22: {  	[simem:s7], [sflag:s8] =	dma.local @!p0 [hbm:s6], $0xF7A  }
0x23: {  	s9 =	sor.u32 $0xD0000000, s2;
	s6 =	simm.s32 $0x108;
	_ =	swait.ge @!p0 [sflag:s8], $0x0  }
0x24: {  	s3 =	sadd.s32 $0x88, s3;
	s6 =	simm.s32 @!p1 $0x1082;
	[sflag:s4] =	ssyncset.s32 $0xFFFFF086  }
0x25: {  	[simem:s6], [sflag:s4] =	dma.local [hbm:s3], $0xF7A  }
0x26: {  	[smem:$0x3F9D] =	sst s1;
	(tag) =	ssettag s2;
	_ =	strace s9  }
0x27: {  	s1 =	sld [smem:$0x3FAD]  }
0x28: {  	s2 =	sld [smem:$0x3FAE]  }
0x29: {  	s4 =	sld [smem:$0x3FB0]  }
0x2a: {  	p0 =	seq.s32 s5, $0x0;
	s5 =	sld [smem:$0x3FB1]  }
0x2b: {  	s6 =	sld [smem:$0x3FB2]  }
0x2c: {  	s7 =	sld [smem:$0x3FB3]  }
0x2d: {  	s3 =	simm.s32 $0x108;
	s8 =	sld [smem:$0x3FB4]  }
0x2e: {  	s3 =	simm.s32 @!p0 $0x1082;
	s9 =	sld [smem:$0x3FB5]  }
0x2f: {  	lr =	sadd.s32 s0, s3;
	s0 =	sld [smem:$0x3FAC]  }
0x30: {  	s3 =	sld [smem:$0x3FAF]  }
0x31: {  	[smem:$0x3FB8] =	sst s10  }
0x32: {  	s10 =	sld [smem:$0x3FB6];
	_ =	sdelay $0x3  }
0x33: {  	p0 =	seq.s32 s10, $0x1;
	s10 =	sld [smem:$0x3FB8];
	_ =	sdelay $0x3  }
0x34: {  	[smem:$0x3FB8] =	sst s10  }
0x35: {  	s10 =	sld [smem:$0x3FB7];
	_ =	sdelay $0x3  }
0x36: {  	p1 =	seq.s32 s10, $0x1;
	s10 =	sld [smem:$0x3FB8];
	_ =	sdelay $0x3  }
0x37: {  	[smem:$0x3FB8] =	sst s10  }
0x38: {  	s10 =	sld [smem:$0x3FB9]  }
0x39: {  	_ = 	snop;
	(pc) =	sbr.ind lr, $3  }
0x3a: {  	_ = 	snop  }
0x3b: {  	_ = 	snop  }
0x3c: {  	p2 =	seq.s32 s10, $0x1;
	s10 =	sld [smem:$0x3FB8]  }
0x3d: {  	_ =	shalt  }
0x3e: {  	_ =	shalt  }
0x3f: {  	_ =	shalt  }
0x40: {  	_ =	shalt  }
0x41: {  	_ =	shalt  }
0x42: {  	_ =	shalt  }
0x43: {  	_ =	shalt  }
0x44: {  	_ =	shalt  }
0x45: {  	_ =	shalt  }
0x46: {  	_ =	shalt  }
0x47: {  	_ =	shalt  }
0x48: {  	_ =	shalt  }
0x49: {  	_ =	shalt  }
0x4a: {  	_ =	shalt  }
0x4b: {  	_ =	shalt  }
0x4c: {  	_ =	shalt  }
0x4d: {  	_ =	shalt  }
0x4e: {  	_ =	shalt  }
0x4f: {  	_ =	shalt  }
0x50: {  	_ =	shalt  }
0x51: {  	_ =	shalt  }
0x52: {  	_ =	shalt  }
0x53: {  	_ =	shalt  }
0x54: {  	_ =	shalt  }
0x55: {  	_ =	shalt  }
0x56: {  	_ =	shalt  }
0x57: {  	_ =	shalt  }
0x58: {  	_ =	shalt  }
0x59: {  	_ =	shalt  }
0x5a: {  	_ =	shalt  }
0x5b: {  	_ =	shalt  }
0x5c: {  	_ =	shalt  }
0x5d: {  	_ =	shalt  }
0x5e: {  	_ =	shalt  }
0x5f: {  	_ =	shalt  }
0x60: {  	_ =	shalt  }
0x61: {  	_ =	shalt  }
0x62: {  	_ =	shalt  }
0x63: {  	_ =	shalt  }
0x64: {  	_ =	shalt  }
0x65: {  	_ =	shalt  }
0x66: {  	_ =	shalt  }
0x67: {  	_ =	shalt  }
0x68: {  	_ =	shalt  }
0x69: {  	_ =	shalt  }
0x6a: {  	_ =	shalt  }
0x6b: {  	_ =	shalt  }
0x6c: {  	_ =	shalt  }
0x6d: {  	_ =	shalt  }
0x6e: {  	_ =	shalt  }
0x6f: {  	_ =	shalt  }
0x70: {  	_ =	shalt  }
0x71: {  	_ =	shalt  }
0x72: {  	_ =	shalt  }
0x73: {  	_ =	shalt  }
0x74: {  	_ =	shalt  }
0x75: {  	_ =	shalt  }
0x76: {  	_ =	shalt  }
0x77: {  	_ =	shalt  }
0x78: {  	_ =	shalt  }
0x79: {  	_ =	shalt  }
0x7a: {  	_ =	shalt  }
0x7b: {  	_ =	shalt  }
0x7c: {  	_ =	shalt  }
0x7d: {  	_ =	shalt  }
0x7e: {  	_ =	shalt  }
0x7f: {  	_ =	shalt  }
0x80: {  	_ =	shalt  }
0x81: {  	_ =	shalt  }
0x82: {  	_ =	shalt  }
0x83: {  	_ =	shalt  }
0x84: {  	_ =	shalt  }
0x85: {  	_ =	shalt  }
0x86: {  	_ =	shalt  }
0x87: {  	_ =	shalt  }
.Lfunc_end0:
.L_simem_size_0:
called_computation_lowered:
.L_overlay_start_0:
0x88: {  	s2 =	sld [smem:$0x3FD9]  }
0x89: {  	s3 =	sld [smem:$0x3FFE];
	_ =	sdelay $0x1  }
0x8a: {  	s1 =	srdreg.scid  }
0x8b: {  	s0 =	sand.u32 $0x1, s1  }
0x8c: {  	s16 =	sshll.u32 s0, $0xA;
	s2 =	sadd.s32 s3, s2  }
0x8d: {  	s2 =	sadd.s32 s2, s16  }
0x8e: {  	[smem:$0x3FC4] =	sst s2  }
0x8f: {  	_ = 	snop  }
0x90: {  	(tm) =	ssettm $0x1  }
0x91: {  	s17 =	sld [smem:$0x3FFB];
	_ =	sdelay $0x3  }
0x92: {  	_ =	strace s17  }
0x93: {  	s2 =	sld [smem:$0x3FFC];
	_ =	sdelay $0x3  }
0x94: {  	_ =	strace s2  }
0x95: {  	s2 =	sld [smem:$0x3FFD];
	_ =	sdelay $0x3  }
0x96: {  	_ =	strace s2  }
0x97: {  	_ =	strace $0x8FFFFFFF  }
0x98: {  	s18 =	sld [smem:$0x3FDB];
	_ =	sdelay $0x1  }
0x99: {  	s19 =	simm.s32 $_scs_section_size  }
0x9a: {  	s4 =	simm.s32 $_size__tile_overlayer_lowered;
	s5 =	simm.s32 $_tile_overlayer_lowered  }
0x9b: {  	s22 =	simm.s32 $0x1BFF;
	s21 =	sshll.u32 s5, $0x1;
	s2 =	sadd.s32 s19, s18  }
0x9c: {  	s6 =	simm.s32 $0x0;
	s20 =	sshll.u32 s4, $0x1;
	s4 =	sadd.s32 s21, s2  }
0x9d: {  	[timem:s6], [sflag:s22] =	dma.local [hbm:s4], s20  }
0x9e: {  	_ =	swait.ge [sflag:s22], s20  }
0x9f: {  	s3 =	ssub.s32 $0x0, s20;
	[sflag:s22] =	ssyncset.done $0x0  }
0xa0: {  	[sflag:s22] =	ssyncadd.s32 s3;
	_ =	sdelay $0x1  }
0xa1: {  	s23 =	simm.s32 $0x1B8B  }
0xa2: {  	_ =	swait.ge [sflag:s23], $0x1  }
0xa3: {  	[sflag:s23] =	ssyncset.done $0x0  }
0xa4: {  	s25 =	simm.s32 $0x1B8E;
	s24 =	sld [smem:$0x3FFE];
	[sflag:s23] =	ssyncadd.s32 $0xFFFFFFFF  }
0xa5: {  	s26 =	simm.s32 $execute0_lowered;
	[smem:$0x3FD2] =	sst s25  }
0xa6: {  	s4 =	sshll.u32 s26, $0x1;
	_ =	strace $0x80000046;
	[dreg:$0x1] =	wrdreg $0xFFFFFFFF  }
0xa7: {  	s28 =	simm.s32 $_size_execute0_lowered;
	s2 =	sadd.s32 s2, s4;
	[dreg:$0x0] =	wrdreg $0x0  }
0xa8: {  	s4 =	sshll.u32 s28, $0x1;
	[dreg:$0x2] =	wrdreg s2  }
0xa9: {  	[dreg:$0x3] =	wrdreg s4  }
0xaa: {  	[dreg:$0x4] =	wrdreg $0xC0  }
0xab: {  	_ =	task [dreg:s6], $0x5FFFF  }
0xac: {  	[dreg:$0x1] =	wrdreg $0xFFFFFFFF  }
0xad: {  	[dreg:$0x0] =	wrdreg $0x60  }
0xae: {  	[dreg:$0x2] =	wrdreg s24  }
0xaf: {  	[dreg:$0x3] =	wrdreg $0xA8000  }
0xb0: {  	[dreg:$0x4] =	wrdreg $0x9  }
0xb1: {  	_ =	task.clear_ibuf [dreg:s6], $0x5FFFF;
	_ =	strace $0x90000046  }
0xb2: {  	s29 =	simm.s32 $0x9;
	_ =	strace $0x80000048  }
0xb3: {  	_ =	swait.ge [sflag:s29], $0x1  }
0xb4: {  	[sflag:s29] =	ssyncadd.s32 $0xFFFFFFFF  }
0xb5: {  	_ =	strace $0x90000048  }
0xb6: {  	_ =	sfence  }
0xb7: {  	s30 =	sld [smem:$0x0];
	_ =	sdelay $0x2  }
0xb8: {  	s31 =	sshll.u32 s1, $0xD;
	s1 =	sshrl.u32 s1, $0x2  }
0xb9: {  	s3 =	sand.u32 $0x4000, s31;
	s1 =	sadd.s32 s1, s30  }
0xba: {  	s0 =	sor.u32 s3, s0;
	s1 =	sshll.u32 s1, $0x11  }
0xbb: {  	s0 =	sor.u32 s1, s0  }
0xbc: {  	s0 =	sadd.s32 $0x8F2B, s0  }
0xbd: {  	[sflag:s0] =	ssyncadd.remote.s32 $0x1  }
0xbe: {  	_ =	sfence.sel $0xFFFF  }
0xbf: {  	[dreg:$0x0] =	wrdreg $0xFFFFFFFF;
	(pc) =	sbr.abs _section_cstart, $3  }
0xc0: {  	[dreg:$0x1] =	wrdreg $0xFFFFFFFF  }
0xc1: {  	_ =	task.clear_ibuf [dreg:s6], $0x2FFFF;
	_ =	strace $0x9FFFFFFF  }
0xc2: {  	(tm) =	ssettm $0x7FFFFFFF  }
0xc3: {  	_ =	shalt  }
tec
execute0_lowered:
.L_overlay_start_1:
0x0: {  	(tag) =	ssettag $0x1  }
0x1: {  	s5 =	rddreg [dreg:$0x0]  }
0x2: {  	s0 =	srdreg.scid;
	s2 =	rddreg [dreg:$0x1]  }
0x3: {  	s3 =	simm.s32 $0x0;
	s12 =	simm.s32 $0x1;
	s13 =	simm.s32 $0x6800  }
0x4: {  	s14 =	simm.s32 $0x80;
	s15 =	simm.s32 $0x2800;
	s4 =	sand.u32 $0x1, s0  }
0x5: {  	s18 =	simm.s32 $0x0;
	s0 =	stileid.u32;
	s7 =	smul.u32 $0x140000, s4  }
0x6: {  	[smem:$0x7FF] =	sst s3;
	s1 =	sshll.u32 s4, $0x4;
	s8 =	smul.u32 $0x14000, s0  }
0x7: {  	s9 =	smul.u32 $0x50000, s0;
	s4 =	ssub.s32 $0x2, s4;
	s16 =	sshll.u32 s0, $0x6  }
0x8: {  	s1 =	sor.u32 s0, s1;
	s31 =	sshrl.u32 s4, $0x1;
	s16 =	sor.u32 $0x1C01, s16  }
0x9: {  	s6 =	smul.u32 $0x500, s1;
	s1 =	rddreg [dreg:$0x2];
	_ =	strace $0x80000047  }
0xa: {  	s7 =	sadd.s32 s8, s7;
	s9 =	sshrl.u32 s9, $0x2;
	s11 =	ssub.s32 s4, s31  }
0xb: {  	s7 =	sshrl.u32 s7, $0x3;
	s4 =	sadd.s32 s9, s2;
	s11 =	smax.u32 s11, $0x1  }
0xc: {  	s6 =	sadd.s32 s6, s5;
	s10 =	sadd.s32 s7, s5;
	s7 =	sadd.s32 $0x8000, s4  }
0xd: {  	s8 =	sadd.s32 $0xC000, s4;
	s9 =	sadd.s32 $0x10000, s4;
	s17 =	sshrl.u32 s4, $0x3  }
0xe: {  	v0 =	vimm.f32 $1.000000000e+00;
	v1 =	vimm.f32 $0.0e+00;
	s5 =	sadd.s32 $0x1A00, s6;
	s6 =	sadd.s32 $0x4000, s4;
	s10 =	sadd.s32 $0xBA00, s10  }
.LBB2_1:
0xf: {  	[tilespmem:s3], [sflag:$0x1] =	stream.linear.gather [hbm4b:s5+s3], $0x2800, $0x38;
	[tilespmem:$0xD000] =	vst v63  }
0x10: {  	_ =	swait.ge [sflag:s12], $0x2800  }
0x11: {  	[sflag:s12] =	ssyncset.done $0x0  }
0x12: {  	s19 =	simm.s32 $0x0;
	[sflag:s12] =	ssyncadd.s32 $0xFFFFD800  }
.LBB2_2:
0x13: {  	p0 =	sne.s32 s19, $0xFE00  }
.Ltmp0:
0x14: {  	_ = 	snop;
	(pc) =	sbr.rel @p0 .LBB2_2-.Ltmp0, $3  }
0x15: {  	_ =	sdelay $0x1  }
0x16: {  	s20 =	sshra.s32 s19, $0x2  }
0x17: {  	s19 =	sadd.s32 $0x200, s19;
	[tilespmem:s20+$0x2800] =	vst v0  }
0x18: {  	s19 =	simm.s32 $0x200;
	s20 =	simm.s32 $0x0  }
.LBB2_4:
0x19: {  	p0 =	sne.s32 s19, $0xFE00;
	[tilespmem:s20+$0x6800] =	vst v1;
	s20 =	smov.u32 s19;
	s19 =	sadd.s32 $0x200, s19  }
.Ltmp1:
0x1a: {  	(pc) =	sbr.rel @p0 .LBB2_4-.Ltmp1, $2  }
0x1b: {  	_ =	sdelay $0x2  }
0x1c: {  	s20 =	sshra.s32 s20, $0x2  }
0x1d: {  	[tilespmem:s20+$0x6800] =	vst v1  }
0x1e: {  	[spmem:s4] =	stream.linear.scatter [tilespmem:s13], [sflag:$0x1], $0x4000, $0x38;
	[tilespmem:$0xD000] =	vst v63  }
0x1f: {  	_ =	swait.ge [sflag:s12], $0x4000  }
0x20: {  	[sflag:s12] =	ssyncset.done $0x0  }
0x21: {  	[sflag:s12] =	ssyncadd.s32 $0xFFFFC000  }
0x22: {  	[spmem:s6] =	stream.linear.scatter [tilespmem:s13], [sflag:$0x1], $0x4000, $0x38;
	[tilespmem:$0xD000] =	vst v63  }
0x23: {  	_ =	swait.ge [sflag:s12], $0x4000  }
0x24: {  	[sflag:s12] =	ssyncset.done $0x0  }
0x25: {  	[sflag:s12] =	ssyncadd.s32 $0xFFFFC000  }
0x26: {  	[spmem:s7] =	stream.linear.scatter [tilespmem:s13], [sflag:$0x1], $0x4000, $0x38;
	[tilespmem:$0xD000] =	vst v63  }
0x27: {  	_ =	swait.ge [sflag:s12], $0x4000  }
0x28: {  	[sflag:s12] =	ssyncset.done $0x0  }
0x29: {  	[sflag:s12] =	ssyncadd.s32 $0xFFFFC000  }
0x2a: {  	[spmem:s8] =	stream.linear.scatter [tilespmem:s13], [sflag:$0x1], $0x4000, $0x38;
	[tilespmem:$0xD000] =	vst v63  }
0x2b: {  	_ =	swait.ge [sflag:s12], $0x4000  }
0x2c: {  	[sflag:s12] =	ssyncset.done $0x0  }
0x2d: {  	[sflag:s12] =	ssyncadd.s32 $0xFFFFC000  }
0x2e: {  	[spmem:s9] =	stream.linear.scatter [tilespmem:s13], [sflag:$0x1], $0x4000, $0x38;
	[tilespmem:$0xD000] =	vst v63  }
0x2f: {  	_ =	swait.ge [sflag:s12], $0x4000  }
0x30: {  	[sflag:s12] =	ssyncset.done $0x0  }
0x31: {  	[sflag:s12] =	ssyncadd.s32 $0xFFFFC000  }
0x32: {  	s19 =	simm.s32 $0x0;
	[bflag:$0x0] =	sbarrier.arrive $0xFFFF  }
0x33: {  	[spmem:s2] =	stream.indirect.scatter.add.f32 [tilespmem:s15], [sflag:$0x1], $0x10, s19, s14, $0xb8;
	[tilespmem:$0xD000] =	vst v63  }
0x34: {  	_ =	swait.ge [sflag:s12], $0x800  }
0x35: {  	s19 =	simm.s32 $0x200;
	[sflag:s12] =	ssyncset.done $0x0  }
.LBB2_6:
0x36: {  	s20 =	sshra.s32 s19, $0x2;
	[sflag:s12] =	ssyncadd.s32 $0xFFFFF800;
	p0 =	sne.s32 s19, $0x9E00  }
0x37: {  	[spmem:s2] =	stream.indirect.scatter.add.f32 [tilespmem:s15], [sflag:$0x1], $0x10, s20, s14, $0xb8;
	[tilespmem:$0xD000] =	vst v63  }
.Ltmp2:
0x38: {  	_ = 	snop;
	(pc) =	sbr.rel @p0 .LBB2_6-.Ltmp2, $4  }
0x39: {  	_ = 	snop  }
0x3a: {  	s19 =	sadd.s32 $0x200, s19  }
0x3b: {  	_ =	swait.ge [sflag:s12], $0x800  }
0x3c: {  	[sflag:s12] =	ssyncset.done $0x0  }
0x3d: {  	s18 =	sadd.s32 $0x1, s18  }
0x3e: {  	[sflag:s12] =	ssyncadd.s32 $0xFFFFF800;
	p0 =	sne.s32 s18, s11  }
.Ltmp3:
0x3f: {  	[bflag:$0x0] =	sbarrier.arrive $0xFFFF;
	(pc) =	sbr.rel @p0 .LBB2_1-.Ltmp3, $4  }
0x40: {  	[hbm:s10], [sflag:s16] =	dma.local [spmem:s17], $0x2800  }
0x41: {  	_ =	swait.ge [sflag:s12], $0x2800  }
0x42: {  	[sflag:s12] =	ssyncset.done $0x0  }
0x43: {  	[sflag:s12] =	ssyncadd.s32 $0xFFFFD800  }
0x44: {  	_ =	sfence.sel $0x180000  }
0x45: {  	[bflag:$0x0] =	sbarrier.arrive $0xFFFF  }
0x46: {  	p0 =	sne.s32 s0, $0x0;
	_ =	strace $0x90000047  }
0x47: {  	s0 =	sadd.s32 @!p0 $0x100000, s1;
	[bflag:$0x2] =	sbarrier.arrive $0xFFFF  }
0x48: {  	[sflag:s0] =	ssyncadd.tile.s32 @!p0 $0x1;
	_ =	shalt  }
.Lfunc_end2:
_tile_overlayer_lowered:
.L_overlay_start_2:
0x49: {  	(tag) =	ssettag $0x2  }
0x4a: {  	s0 =	rddreg [dreg:$0x0];
	s2 =	stileid.u32  }
0x4b: {  	s1 =	rddreg [dreg:$0x1];
	p0 =	sne.s32 s2, $0x0  }
0x4c: {  	s3 =	rddreg [dreg:$0x2];
	[bflag:$0x3] =	sbarrier.arrive $0xFFFF;
	s2 =	simm.s32 @!p0 $0x1C01  }
0x4d: {  	[timem:s3], [sflag:s2] =	dma.local @!p0 [hbm:s0], s1  }
0x4e: {  	s0 =	simm.s32 @!p0 $0x1  }
0x4f: {  	_ =	swait.ge @!p0 [sflag:s0], s1  }
0x50: {  	s1 =	ssub.s32 @!p0 $0x0, s1;
	[sflag:s0] =	ssyncset.done @!p0 $0x0  }
0x51: {  	[sflag:s0] =	ssyncadd.s32 @!p0 s1  }
0x52: {  	[bflag:$0x3] =	sbarrier.arrive $0xFFFF  }
0x53: {  	_ =	shalt  }

// kernel: kernel.9.cloned.1.call-start
scs
__scs_entry_jumppad:
0x0: {  	(pc) =	sbr.rel $0x88, $3  }
0x1: {  	(tag) =	ssettag $0x0;
	lr =	simm.s32 $0x1  }
0x2: {  	[smem:$0x3F9D] =	sst lr;
	_ =	strace $0xD0000000  }
0x3: {  	_ = 	snop  }
0x4: {  	_ = 	snop  }
0x5: {  	_ = 	snop  }
0x6: {  	_ = 	snop  }
0x7: {  	_ = 	snop  }
__scs_overlays_trampoline_lowered:
0x8: {  	[smem:$0x3FAC] =	sst s0  }
0x9: {  	[smem:$0x3FAD] =	sst s1  }
0xa: {  	[smem:$0x3FAE] =	sst s2  }
0xb: {  	[smem:$0x3FAF] =	sst s3  }
0xc: {  	[smem:$0x3FB0] =	sst s4  }
0xd: {  	[smem:$0x3FB1] =	sst s5  }
0xe: {  	[smem:$0x3FB2] =	sst s6  }
0xf: {  	[smem:$0x3FB3] =	sst s7  }
0x10: {  	[smem:$0x3FB4] =	sst s8  }
0x11: {  	[smem:$0x3FB5] =	sst s9;
	s0 =	simm.s32 @!p0 $0x0  }
0x12: {  	s1 =	sld [smem:$0x3F9B];
	s0 =	simm.s32 @p0 $0x1  }
0x13: {  	[smem:$0x3FB6] =	sst s0;
	s0 =	simm.s32 @!p1 $0x0  }
0x14: {  	s2 =	sld [smem:$0x3F9A];
	s0 =	simm.s32 @p1 $0x1  }
0x15: {  	[smem:$0x3FB7] =	sst s0;
	s0 =	simm.s32 @!p2 $0x0  }
0x16: {  	s3 =	sld [smem:$0x3FDB];
	s0 =	simm.s32 @p2 $0x1  }
0x17: {  	s4 =	simm.s32 $0x1BF5;
	[smem:$0x3FB9] =	sst s0  }
0x18: {  	s0 =	sld [smem:$0x3F9C];
	_ =	swait.ge [sflag:s4], $0x0  }
0x19: {  	s7 =	sld [smem:$0x3F9D]  }
0x1a: {  	s8 =	sadd.s32 $0xFFFFE003, lr  }
0x1b: {  	s9 =	sadd.s32 $0xFFFFFEF7, lr;
	s5 =	simm.s32 $0xFFFFFFFF;
	p2 =	slt.u32 s8, $0xFFFFF086  }
0x1c: {  	p1 =	slt.u32 s9, $0xF7A;
	s5 =	simm.s32 @!p2 $0x0  }
0x1d: {  	s5 =	simm.s32 @p1 $0x1;
	p0 =	seq.s32 s7, s2  }
0x1e: {  	s7 =	smul.u32 @!p0 $0xF7A, s2;
	p2 =	seq.s32 @!p0 s5, $0x0  }
0x1f: {  	s9 =	smul.u32 $0xF7A, s1;
	s8 =	simm.s32 @!p0 $0x1BF5;
	p2 =	por !p2, p0  }
0x20: {  	[sflag:s8] =	ssyncset.s32 @!p0 $0xFFFFF086;
	s6 =	sadd.s32 @!p0 s3, s7;
	s7 =	simm.s32 @!p0 $0x108  }
0x21: {  	s3 =	sadd.s32 s3, s9;
	s6 =	sadd.s32 @!p0 $0x88, s6;
	s7 =	simm.s32 @p2 $0x1082  }
0x22: {  	[simem:s7], [sflag:s8] =	dma.local @!p0 [hbm:s6], $0xF7A  }
0x23: {  	s9 =	sor.u32 $0xD0000000, s2;
	s6 =	simm.s32 $0x108;
	_ =	swait.ge @!p0 [sflag:s8], $0x0  }
0x24: {  	s3 =	sadd.s32 $0x88, s3;
	s6 =	simm.s32 @!p1 $0x1082;
	[sflag:s4] =	ssyncset.s32 $0xFFFFF086  }
0x25: {  	[simem:s6], [sflag:s4] =	dma.local [hbm:s3], $0xF7A  }
0x26: {  	[smem:$0x3F9D] =	sst s1;
	(tag) =	ssettag s2;
	_ =	strace s9  }
0x27: {  	s1 =	sld [smem:$0x3FAD]  }
0x28: {  	s2 =	sld [smem:$0x3FAE]  }
0x29: {  	s4 =	sld [smem:$0x3FB0]  }
0x2a: {  	p0 =	seq.s32 s5, $0x0;
	s5 =	sld [smem:$0x3FB1]  }
0x2b: {  	s6 =	sld [smem:$0x3FB2]  }
0x2c: {  	s7 =	sld [smem:$0x3FB3]  }
0x2d: {  	s3 =	simm.s32 $0x108;
	s8 =	sld [smem:$0x3FB4]  }
0x2e: {  	s3 =	simm.s32 @!p0 $0x1082;
	s9 =	sld [smem:$0x3FB5]  }
0x2f: {  	lr =	sadd.s32 s0, s3;
	s0 =	sld [smem:$0x3FAC]  }
0x30: {  	s3 =	sld [smem:$0x3FAF]  }
0x31: {  	[smem:$0x3FB8] =	sst s10  }
0x32: {  	s10 =	sld [smem:$0x3FB6];
	_ =	sdelay $0x3  }
0x33: {  	p0 =	seq.s32 s10, $0x1;
	s10 =	sld [smem:$0x3FB8];
	_ =	sdelay $0x3  }
0x34: {  	[smem:$0x3FB8] =	sst s10  }
0x35: {  	s10 =	sld [smem:$0x3FB7];
	_ =	sdelay $0x3  }
0x36: {  	p1 =	seq.s32 s10, $0x1;
	s10 =	sld [smem:$0x3FB8];
	_ =	sdelay $0x3  }
0x37: {  	[smem:$0x3FB8] =	sst s10  }
0x38: {  	s10 =	sld [smem:$0x3FB9]  }
0x39: {  	_ = 	snop;
	(pc) =	sbr.ind lr, $3  }
0x3a: {  	_ = 	snop  }
0x3b: {  	_ = 	snop  }
0x3c: {  	p2 =	seq.s32 s10, $0x1;
	s10 =	sld [smem:$0x3FB8]  }
0x3d: {  	_ =	shalt  }
0x3e: {  	_ =	shalt  }
0x3f: {  	_ =	shalt  }
0x40: {  	_ =	shalt  }
0x41: {  	_ =	shalt  }
0x42: {  	_ =	shalt  }
0x43: {  	_ =	shalt  }
0x44: {  	_ =	shalt  }
0x45: {  	_ =	shalt  }
0x46: {  	_ =	shalt  }
0x47: {  	_ =	shalt  }
0x48: {  	_ =	shalt  }
0x49: {  	_ =	shalt  }
0x4a: {  	_ =	shalt  }
0x4b: {  	_ =	shalt  }
0x4c: {  	_ =	shalt  }
0x4d: {  	_ =	shalt  }
0x4e: {  	_ =	shalt  }
0x4f: {  	_ =	shalt  }
0x50: {  	_ =	shalt  }
0x51: {  	_ =	shalt  }
0x52: {  	_ =	shalt  }
0x53: {  	_ =	shalt  }
0x54: {  	_ =	shalt  }
0x55: {  	_ =	shalt  }
0x56: {  	_ =	shalt  }
0x57: {  	_ =	shalt  }
0x58: {  	_ =	shalt  }
0x59: {  	_ =	shalt  }
0x5a: {  	_ =	shalt  }
0x5b: {  	_ =	shalt  }
0x5c: {  	_ =	shalt  }
0x5d: {  	_ =	shalt  }
0x5e: {  	_ =	shalt  }
0x5f: {  	_ =	shalt  }
0x60: {  	_ =	shalt  }
0x61: {  	_ =	shalt  }
0x62: {  	_ =	shalt  }
0x63: {  	_ =	shalt  }
0x64: {  	_ =	shalt  }
0x65: {  	_ =	shalt  }
0x66: {  	_ =	shalt  }
0x67: {  	_ =	shalt  }
0x68: {  	_ =	shalt  }
0x69: {  	_ =	shalt  }
0x6a: {  	_ =	shalt  }
0x6b: {  	_ =	shalt  }
0x6c: {  	_ =	shalt  }
0x6d: {  	_ =	shalt  }
0x6e: {  	_ =	shalt  }
0x6f: {  	_ =	shalt  }
0x70: {  	_ =	shalt  }
0x71: {  	_ =	shalt  }
0x72: {  	_ =	shalt  }
0x73: {  	_ =	shalt  }
0x74: {  	_ =	shalt  }
0x75: {  	_ =	shalt  }
0x76: {  	_ =	shalt  }
0x77: {  	_ =	shalt  }
0x78: {  	_ =	shalt  }
0x79: {  	_ =	shalt  }
0x7a: {  	_ =	shalt  }
0x7b: {  	_ =	shalt  }
0x7c: {  	_ =	shalt  }
0x7d: {  	_ =	shalt  }
0x7e: {  	_ =	shalt  }
0x7f: {  	_ =	shalt  }
0x80: {  	_ =	shalt  }
0x81: {  	_ =	shalt  }
0x82: {  	_ =	shalt  }
0x83: {  	_ =	shalt  }
0x84: {  	_ =	shalt  }
0x85: {  	_ =	shalt  }
0x86: {  	_ =	shalt  }
0x87: {  	_ =	shalt  }
.Lfunc_end0:
.L_simem_size_0:
called_computation.1_lowered:
.L_overlay_start_0:
0x88: {  	s2 =	sld [smem:$0x3FD9]  }
0x89: {  	s3 =	sld [smem:$0x3FFE];
	_ =	sdelay $0x1  }
0x8a: {  	s1 =	srdreg.scid  }
0x8b: {  	s0 =	sand.u32 $0x1, s1  }
0x8c: {  	s17 =	sshll.u32 s0, $0xA;
	s2 =	sadd.s32 s3, s2  }
0x8d: {  	s2 =	sadd.s32 s2, s17  }
0x8e: {  	[smem:$0x3FC4] =	sst s2  }
0x8f: {  	_ = 	snop  }
0x90: {  	s2 =	sld [smem:$0x3FD0];
	(tm) =	ssettm $0x1  }
0x91: {  	s18 =	sld [smem:$0x3FFB];
	_ =	sdelay $0x3  }
0x92: {  	_ =	strace s18  }
0x93: {  	s3 =	sld [smem:$0x3FFC];
	_ =	sdelay $0x3  }
0x94: {  	_ =	strace s3  }
0x95: {  	s3 =	sld [smem:$0x3FFD];
	_ =	sdelay $0x3  }
0x96: {  	_ =	strace s3  }
0x97: {  	_ =	strace $0x8FFFFFFF  }
0x98: {  	s19 =	sld [smem:$0x3FDB];
	_ =	sdelay $0x1  }
0x99: {  	s4 =	simm.s32 $_scs_section_size  }
0x9a: {  	s5 =	simm.s32 $_size__tile_overlayer_lowered;
	s6 =	simm.s32 $_tile_overlayer_lowered  }
0x9b: {  	s22 =	simm.s32 $0x1BFF;
	s21 =	sshll.u32 s6, $0x1;
	s3 =	sadd.s32 s4, s19  }
0x9c: {  	s7 =	simm.s32 $0x0;
	s20 =	sshll.u32 s5, $0x1;
	s5 =	sadd.s32 s21, s3  }
0x9d: {  	[timem:s7], [sflag:s22] =	dma.local [hbm:s5], s20  }
0x9e: {  	_ =	swait.ge [sflag:s22], s20  }
0x9f: {  	s4 =	ssub.s32 $0x0, s20;
	[sflag:s22] =	ssyncset.done $0x0  }
0xa0: {  	[sflag:s22] =	ssyncadd.s32 s4;
	_ =	sdelay $0x1  }
0xa1: {  	s23 =	simm.s32 $0x1B8B  }
0xa2: {  	_ =	swait.ge [sflag:s23], $0x1  }
0xa3: {  	[sflag:s23] =	ssyncset.done $0x0  }
0xa4: {  	s25 =	simm.s32 $0x1B8E;
	s24 =	sld [smem:$0x3FFE];
	[sflag:s23] =	ssyncadd.s32 $0xFFFFFFFF  }
0xa5: {  	s26 =	simm.s32 $execute0_lowered;
	[smem:$0x3FD2] =	sst s25  }
0xa6: {  	s5 =	sshll.u32 s26, $0x1;
	_ =	strace $0x80000049;
	[dreg:$0x1] =	wrdreg $0xFFFFFFFF  }
0xa7: {  	s28 =	simm.s32 $_size_execute0_lowered;
	s3 =	sadd.s32 s3, s5;
	[dreg:$0x0] =	wrdreg $0x0  }
0xa8: {  	s5 =	sshll.u32 s28, $0x1;
	[dreg:$0x2] =	wrdreg s3  }
0xa9: {  	[dreg:$0x3] =	wrdreg s5  }
0xaa: {  	[dreg:$0x4] =	wrdreg $0xC0  }
0xab: {  	_ =	task [dreg:s7], $0x5FFFF  }
0xac: {  	[dreg:$0x1] =	wrdreg $0xFFFFFFFF  }
0xad: {  	[dreg:$0x0] =	wrdreg $0x60  }
0xae: {  	[dreg:$0x2] =	wrdreg s24  }
0xaf: {  	[dreg:$0x3] =	wrdreg s2  }
0xb0: {  	[dreg:$0x4] =	wrdreg $0x90000  }
0xb1: {  	[dreg:$0x5] =	wrdreg $0x9  }
0xb2: {  	_ =	task.clear_ibuf [dreg:s7], $0x6FFFF;
	_ =	strace $0x90000049  }
0xb3: {  	s29 =	simm.s32 $0x9;
	_ =	strace $0x8000004B  }
0xb4: {  	_ =	swait.ge [sflag:s29], $0x1  }
0xb5: {  	[sflag:s29] =	ssyncadd.s32 $0xFFFFFFFF  }
0xb6: {  	_ =	strace $0x9000004B  }
0xb7: {  	_ =	sfence  }
0xb8: {  	s30 =	sld [smem:$0x0];
	_ =	sdelay $0x2  }
0xb9: {  	s31 =	sshll.u32 s1, $0xD;
	s1 =	sshrl.u32 s1, $0x2  }
0xba: {  	s3 =	sand.u32 $0x4000, s31;
	s1 =	sadd.s32 s1, s30  }
0xbb: {  	s0 =	sor.u32 s3, s0;
	s1 =	sshll.u32 s1, $0x11  }
0xbc: {  	s0 =	sor.u32 s1, s0  }
0xbd: {  	s0 =	sadd.s32 $0x8F2B, s0  }
0xbe: {  	[sflag:s0] =	ssyncadd.remote.s32 $0x1  }
0xbf: {  	_ =	sfence.sel $0xFFFF  }
0xc0: {  	[dreg:$0x0] =	wrdreg $0xFFFFFFFF;
	(pc) =	sbr.abs _section_cstart, $3  }
0xc1: {  	[dreg:$0x1] =	wrdreg $0xFFFFFFFF  }
0xc2: {  	_ =	task.clear_ibuf [dreg:s7], $0x2FFFF;
	_ =	strace $0x9FFFFFFF  }
0xc3: {  	(tm) =	ssettm $0x7FFFFFFF  }
tec
execute0_lowered:
.L_overlay_start_1:
0x0: {  	(tag) =	ssettag $0x1  }
0x1: {  	s6 =	rddreg [dreg:$0x0]  }
0x2: {  	s0 =	srdreg.scid;
	s2 =	rddreg [dreg:$0x1]  }
0x3: {  	s3 =	rddreg [dreg:$0x2];
	s4 =	simm.s32 $0x0;
	s14 =	simm.s32 $0x80  }
0x4: {  	s15 =	simm.s32 $0x5000;
	s16 =	simm.s32 $0x1;
	s5 =	sand.u32 $0x1, s0  }
0x5: {  	s17 =	simm.s32 $0x0;
	s0 =	stileid.u32;
	s8 =	smul.u32 $0x140000, s5  }
0x6: {  	[smem:$0x7FF] =	sst s4;
	s1 =	sshll.u32 s5, $0x4;
	s9 =	smul.u32 $0x14000, s0  }
0x7: {  	s30 =	ssub.s32 $0x2, s5;
	s11 =	smul.u32 $0x50000, s0;
	s5 =	sadd.s32 $0x65A00, s6  }
0x8: {  	s12 =	sshll.u32 s0, $0x6;
	s1 =	sor.u32 s0, s1;
	s10 =	sshrl.u32 s30, $0x1  }
0x9: {  	s12 =	sor.u32 $0x1C02, s12;
	s7 =	smul.u32 $0x500, s1;
	s1 =	rddreg [dreg:$0x3]  }
0xa: {  	_ =	strace $0x8000004A;
	s8 =	sadd.s32 s9, s8;
	s9 =	ssub.s32 s30, s10  }
0xb: {  	s31 =	sshrl.u32 s11, $0x2;
	s10 =	simm.s32 $0x2;
	s11 =	simm.s32 $0x2800  }
0xc: {  	s8 =	sshrl.u32 s8, $0x3;
	s13 =	sadd.s32 s31, s3;
	s9 =	smax.u32 s9, $0x1  }
0xd: {  	s7 =	sadd.s32 s7, s6;
	s8 =	sadd.s32 s8, s6;
	s13 =	sshrl.u32 s13, $0x3  }
0xe: {  	s6 =	sadd.s32 $0x5BA00, s7;
	s7 =	sadd.s32 $0x1A00, s7;
	s8 =	sadd.s32 $0x68200, s8  }
.LBB2_1:
0xf: {  	[tilespmem:s4], [sflag:$0x2] =	stream.linear.gather [hbm4b:s6+s4], $0x2800, $0x38;
	[tilespmem:$0x1D000] =	vst v63  }
0x10: {  	_ =	swait.ge [sflag:s10], $0x2800  }
0x11: {  	[sflag:s10] =	ssyncset.done $0x0  }
0x12: {  	[sflag:s10] =	ssyncadd.s32 $0xFFFFD800  }
0x13: {  	[tilespmem:s11], [sflag:$0x2] =	stream.linear.gather [hbm4b:s7+s4], $0x2800, $0x38;
	[tilespmem:$0x1D000] =	vst v63  }
0x14: {  	_ =	swait.ge [sflag:s10], $0x2800  }
0x15: {  	[sflag:s10] =	ssyncset.done $0x0  }
0x16: {  	[sflag:s10] =	ssyncadd.s32 $0xFFFFD800  }
0x17: {  	[spmem:s13], [sflag:s12] =	dma.local [hbm:s5], $0x2800  }
0x18: {  	_ =	swait.ge [sflag:s10], $0x2800  }
0x19: {  	[sflag:s10] =	ssyncset.done $0x0  }
0x1a: {  	[sflag:s10] =	ssyncadd.s32 $0xFFFFD800  }
0x1b: {  	s18 =	simm.s32 $0x0;
	[bflag:$0x0] =	sbarrier.arrive $0xFFFF  }
0x1c: {  	[tilespmem:s15], [sflag:$0x1] =	stream.indirect.gather [hbm4b:s2+s14], $0x80, s18, s14, $0xb8;
	[tilespmem:$0x1D000] =	vst v63  }
0x1d: {  	_ =	swait.ge [sflag:s16], $0x4000  }
0x1e: {  	[sflag:s16] =	ssyncset.done $0x0  }
0x1f: {  	s31 =	simm.s32 $0x2800;
	[sflag:s16] =	ssyncadd.s32 $0xFFFFC000  }
0x20: {  	[spmem:s3] =	stream.indirect.scatter.add.f32 [tilespmem:s15], [sflag:$0x2], $0x80, s31, s14, $0xb8;
	[tilespmem:$0x1D000] =	vst v63  }
0x21: {  	_ =	swait.ge [sflag:s10], $0x4000  }
0x22: {  	s19 =	simm.s32 $0x400;
	s18 =	simm.s32 $0x200;
	[sflag:s10] =	ssyncset.done $0x0  }
.LBB2_2:
0x23: {  	s20 =	sshra.s32 s18, $0x2  }
0x24: {  	[sflag:s10] =	ssyncadd.s32 $0xFFFFC000;
	s18 =	smov.u32 s19;
	s21 =	sadd.s32 $0x200, s19  }
0x25: {  	[tilespmem:s15], [sflag:$0x1] =	stream.indirect.gather [hbm4b:s2+s14], $0x80, s20, s14, $0xb8;
	[tilespmem:$0x1D000] =	vst v63  }
0x26: {  	p0 =	sne.s32 s19, $0x9E00;
	_ =	swait.ge [sflag:s16], $0x4000  }
.Ltmp0:
0x27: {  	[sflag:s16] =	ssyncset.done $0x0;
	(pc) =	sbr.rel @p0 .LBB2_2-.Ltmp0, $4  }
0x28: {  	s19 =	sadd.s32 $0x2800, s20;
	[sflag:s16] =	ssyncadd.s32 $0xFFFFC000  }
0x29: {  	[spmem:s3] =	stream.indirect.scatter.add.f32 [tilespmem:s15], [sflag:$0x2], $0x80, s19, s14, $0xb8;
	[tilespmem:$0x1D000] =	vst v63  }
0x2a: {  	_ =	swait.ge [sflag:s10], $0x4000  }
0x2b: {  	s19 =	smov.u32 s21;
	[sflag:s10] =	ssyncset.done $0x0  }
0x2c: {  	s18 =	sshra.s32 s18, $0x2;
	[sflag:s10] =	ssyncadd.s32 $0xFFFFC000  }
0x2d: {  	[tilespmem:s15], [sflag:$0x1] =	stream.indirect.gather [hbm4b:s2+s14], $0x80, s18, s14, $0xb8;
	[tilespmem:$0x1D000] =	vst v63  }
0x2e: {  	_ =	swait.ge [sflag:s16], $0x4000  }
0x2f: {  	[sflag:s16] =	ssyncset.done $0x0  }
0x30: {  	s18 =	sadd.s32 $0x2800, s18;
	[sflag:s16] =	ssyncadd.s32 $0xFFFFC000  }
0x31: {  	[spmem:s3] =	stream.indirect.scatter.add.f32 [tilespmem:s15], [sflag:$0x2], $0x80, s18, s14, $0xb8;
	[tilespmem:$0x1D000] =	vst v63  }
0x32: {  	_ =	swait.ge [sflag:s10], $0x4000  }
0x33: {  	s17 =	sadd.s32 $0x1, s17;
	[sflag:s10] =	ssyncset.done $0x0  }
0x34: {  	p0 =	sne.s32 s17, s9;
	[sflag:s10] =	ssyncadd.s32 $0xFFFFC000  }
.Ltmp1:
0x35: {  	[bflag:$0x0] =	sbarrier.arrive $0xFFFF;
	(pc) =	sbr.rel @p0 .LBB2_1-.Ltmp1, $4  }
0x36: {  	[hbm:s8], [sflag:s12] =	dma.local [spmem:s13], $0x2800  }
0x37: {  	_ =	swait.ge [sflag:s10], $0x2800  }
0x38: {  	[sflag:s10] =	ssyncset.done $0x0  }
0x39: {  	[sflag:s10] =	ssyncadd.s32 $0xFFFFD800  }
0x3a: {  	_ =	sfence.sel $0x180000  }
0x3b: {  	[bflag:$0x0] =	sbarrier.arrive $0xFFFF  }
0x3c: {  	p0 =	sne.s32 s0, $0x0;
	_ =	strace $0x9000004A  }
0x3d: {  	s0 =	sadd.s32 @!p0 $0x100000, s1;
	[bflag:$0x2] =	sbarrier.arrive $0xFFFF  }
0x3e: {  	[sflag:s0] =	ssyncadd.tile.s32 @!p0 $0x1;
	_ =	shalt  }
.Lfunc_end2:
_tile_overlayer_lowered:
.L_overlay_start_2:
0x3f: {  	(tag) =	ssettag $0x2  }
0x40: {  	s0 =	rddreg [dreg:$0x0];
	s2 =	stileid.u32  }
0x41: {  	s1 =	rddreg [dreg:$0x1];
	p0 =	sne.s32 s2, $0x0  }
0x42: {  	s3 =	rddreg [dreg:$0x2];
	[bflag:$0x3] =	sbarrier.arrive $0xFFFF;
	s2 =	simm.s32 @!p0 $0x1C02  }
0x43: {  	[timem:s3], [sflag:s2] =	dma.local @!p0 [hbm:s0], s1  }
0x44: {  	s0 =	simm.s32 @!p0 $0x2  }
0x45: {  	_ =	swait.ge @!p0 [sflag:s0], s1  }
0x46: {  	s1 =	ssub.s32 @!p0 $0x0, s1;
	[sflag:s0] =	ssyncset.done @!p0 $0x0  }
0x47: {  	[sflag:s0] =	ssyncadd.s32 @!p0 s1  }
0x48: {  	[bflag:$0x3] =	sbarrier.arrive $0xFFFF  }
0x49: {  	_ =	shalt  }

</sc_bundles>
